<compile_context>
chip_gen: v7x
topology: tpu7x:2x2x1
jax: 0.10.2.dev20260603
libtpu: 0.0.44.dev20260713+nightly
codegen_flags: <defaults>
</compile_context>

<pallas_src>
import functools

import jax
import jax.numpy as jnp
from jax import lax
from jax.experimental import pallas as pl
from jax.experimental.pallas import tpu as pltpu
from jax.experimental.pallas import tpu_sc as plsc

_SCALE = 30.0
_R2 = 0.7071067811865476
_LOG2E = 1.4426950408889634
_A = _SCALE * _LOG2E


def _sc_gather(yh_flat, y, num_class):
    b = y.shape[0]
    nw = 32
    per_w = b // nw
    mesh = plsc.VectorSubcoreMesh(core_axis_name="c", subcore_axis_name="s")

    @functools.partial(
        pl.kernel,
        mesh=mesh,
        out_type=jax.ShapeDtypeStruct((b,), jnp.float32),
        scratch_types=[
            pltpu.VMEM((per_w,), jnp.int32),
            pltpu.VMEM((per_w,), jnp.int32),
            pltpu.VMEM((per_w,), jnp.float32),
            pltpu.SemaphoreType.DMA,
        ],
    )
    def k(yh_hbm, y_hbm, out_hbm, yv, idxv, cv, sem):
        wid = lax.axis_index("s") * 2 + lax.axis_index("c")
        base = wid * per_w
        pltpu.sync_copy(y_hbm.at[pl.ds(base, per_w)], yv)
        for j in range(per_w // 16):
            rows = lax.iota(jnp.int32, 16) + (base + j * 16)
            idxv[pl.ds(j * 16, 16)] = (
                rows * num_class + yv[pl.ds(j * 16, 16)]
            )
        for t in range(per_w // 128):
            pltpu.async_copy(
                yh_hbm.at[idxv.at[pl.ds(t * 128, 128)]],
                cv.at[pl.ds(t * 128, 128)],
                sem,
            ).wait()
        pltpu.sync_copy(cv, out_hbm.at[pl.ds(base, per_w)])

    return k(yh_flat, y)


def _psi(c):
    c = jnp.clip(c, -1.0, 1.0)
    c2 = c * c
    cos4 = 8.0 * c2 * c2 - 8.0 * c2 + 1.0
    k = (
        (c <= _R2).astype(jnp.int32)
        + (c <= 0.0).astype(jnp.int32)
        + (c <= -_R2).astype(jnp.int32)
    )
    co = jnp.where((k & 1) == 1, -1.0, 1.0)
    return co * cos4 - 2.0 * k.astype(jnp.float32)


def _sub_loss(yh, c):
    psi = _psi(c)
    s0 = jnp.sum(jnp.exp2(yh * _A), axis=1, keepdims=True)
    s = s0 - jnp.exp2(c * _A) + jnp.exp2(psi * _A)
    lse = jnp.log(s)
    return jnp.sum(lse - _SCALE * psi)


def _body(a_ref, b_ref, c_ref, d_ref, ca_ref, cb_ref, cc_ref, cd_ref, out_ref):
    i = pl.program_id(0)
    nsteps = pl.num_programs(0)

    part = (
        _sub_loss(a_ref[...], ca_ref[...])
        + _sub_loss(b_ref[...], cb_ref[...])
        + _sub_loss(c_ref[...], cc_ref[...])
        + _sub_loss(d_ref[...], cd_ref[...])
    )

    @pl.when(i == 0)
    def _init():
        out_ref[0, 0] = 0.0

    out_ref[0, 0] += part

    @pl.when(i == nsteps - 1)
    def _final():
        out_ref[0, 0] = out_ref[0, 0] * (1.0 / (nsteps * 4 * a_ref.shape[0]))


def kernel(y_hat, y):
    n, num_class = y_hat.shape
    cvals = _sc_gather(y_hat.reshape(-1), y, num_class)
    c2 = cvals.reshape(n, 1)

    blk = 256
    grid = n // (4 * blk)

    def mk(q):
        return pl.BlockSpec((blk, num_class), lambda i, q=q: (4 * i + q, 0))

    def mkc(q):
        return pl.BlockSpec((blk, 1), lambda i, q=q: (4 * i + q, 0))

    return jnp.sum(c2)

# --- scband reference (transcript-rebuilt; emitter-appended) ---
"""Pipeline reference for scband-sphere-loss-23785528886048 (READ-ONLY COPY).

The authoritative reference and input builder live on the scoring server;
editing this copy changes nothing except your own understanding.
"""

import jax, jax.numpy as jnp
import numpy as np
from math import pi

M = 4
SCALE = 30.0
NUM_CLASS = 1000
B = 16384


def setup_inputs(seed: int = 0) -> dict:
    key = jax.random.key(seed)
    k1, k2 = jax.random.split(key)
    # y_hat are cosine similarities, must lie in [-1, 1] for acos; rand -> [0, 1)
    y_hat = jax.random.uniform(k1, (B, NUM_CLASS), dtype=jnp.float32)
    y = jax.random.randint(k2, (B,), 0, NUM_CLASS, dtype=jnp.int32)
    return {"y_hat": y_hat, "y": y}


def _theta_to_psi(theta):
    k = jnp.floor(theta * M / pi)
    co = jnp.power(jnp.full(k.shape, -1.0, dtype=theta.dtype), k)
    cos_m_theta = jnp.cos(M * theta)
    return co * cos_m_theta - 2.0 * k


def reference(y_hat, y):
    n = y_hat.shape[0]
    rows = jnp.arange(n)
    # gather the logit at the true class (equivalent to masked_select with one-hot mask)
    cos_theta_yi = y_hat[rows, y]
    theta_yi = jnp.arccos(jnp.clip(cos_theta_yi, -1.0, 1.0))
    psi_yi = _theta_to_psi(theta_yi)
    # scatter-overwrite the true-class logits with psi
    fc = y_hat.at[rows, y].set(psi_yi)
    fc = fc * SCALE
    # cross entropy with mean reduction
    logp = fc - jax.scipy.special.logsumexp(fc, axis=1, keepdims=True)
    loss = -jnp.mean(logp[rows, y])
    return loss

if __name__ == "__main__":
    import jax
    _d = setup_inputs()
    print(jax.jit(kernel)(*tuple(_d.values())))

</pallas_src>

<mosaic_0001>
#map = affine_map<(d0, d1) -> (0)>
module attributes {stable_mosaic.version = 14 : i64} {
  func.func @k(%arg0: i32, %arg1: i32, %arg2: memref<16384000xf32, #tpu.memory_space<hbm>>, %arg3: memref<16384xi32, #tpu.memory_space<hbm>>, %arg4: memref<16384xf32, #tpu.memory_space<hbm>>, %arg5: memref<512xi32, #tpu.memory_space<vmem>>, %arg6: memref<512xi32, #tpu.memory_space<vmem>>, %arg7: memref<512xf32, #tpu.memory_space<vmem>>, %arg8: memref<!tpu.dma_semaphore, #tpu.memory_space<semaphore_mem>>) attributes {dimension_semantics = [#tpu.dimension_semantics<core_parallel>, #tpu.dimension_semantics<subcore_parallel>], iteration_bounds = array<i64: 2, 16>, scalar_prefetch = 0 : i64, scratch_operands = 4 : i64, tpu.core_type = #tpu.core_type<sc_vector_subcore>, window_params = [{transform_indices = #map}, {transform_indices = #map}, {transform_indices = #map}]} {
    %mul3A = arith.constant 2 : i32
    %mul3A_0 = arith.muli %arg1, %mul3A : i32
    %add3A = arith.addi %mul3A_0, %arg0 : i32
    %mul3A_1 = arith.constant 512 : i32
    %mul3A_2 = arith.muli %add3A, %mul3A_1 : i32
    "tpu.region"() ({
      %run_scoped3A = tpu.sem_alloc : memref<!tpu.dma_semaphore, #tpu.memory_space<semaphore_mem>>
      %dma_start3A_558 = tpu.memref_slice %arg3[%mul3A_2] : memref<16384xi32, #tpu.memory_space<hbm>> -> memref<512xi32, #tpu.memory_space<hbm>>
      %dma_start3A_559 = tpu.memref_slice %arg3[%mul3A_2] : memref<16384xi32, #tpu.memory_space<hbm>> -> memref<512xi32, #tpu.memory_space<hbm>>
      tpu.enqueue_dma source(%dma_start3A_559 : memref<512xi32, #tpu.memory_space<hbm>>) target(%arg5 : memref<512xi32, #tpu.memory_space<vmem>>) target_semaphore(%run_scoped3A : memref<!tpu.dma_semaphore, #tpu.memory_space<semaphore_mem>>)
      %dma_wait3A_560 = tpu.memref_slice %arg3[%mul3A_2] : memref<16384xi32, #tpu.memory_space<hbm>> -> memref<512xi32, #tpu.memory_space<hbm>>
      %dma_wait3A_561 = tpu.memref_slice %arg3[%mul3A_2] : memref<16384xi32, #tpu.memory_space<hbm>> -> memref<512xi32, #tpu.memory_space<hbm>>
      tpu.wait_dma2 semaphore(%run_scoped3A : memref<!tpu.dma_semaphore, #tpu.memory_space<semaphore_mem>>) src(%dma_wait3A_561 : memref<512xi32, #tpu.memory_space<hbm>>) dst(%arg5 : memref<512xi32, #tpu.memory_space<vmem>>)
      tpu.yield
    }) : () -> ()
    %iota3A = tpu.iota {dimensions = array<i32: 0>} : vector<16xi32>
    %add3A_3 = arith.constant 0 : i32
    %add3A_4 = arith.addi %mul3A_2, %add3A_3 : i32
    %add3A_5 = vector.broadcast %add3A_4 : i32 to vector<16xi32>
    %add3A_6 = arith.addi %iota3A, %add3A_5 : vector<16xi32>
    %mul3A_7 = arith.constant 1000 : i32
    %mul3A_8 = vector.broadcast %mul3A_7 : i32 to vector<16xi32>
    %mul3A_9 = arith.muli %add3A_6, %mul3A_8 : vector<16xi32>
    %get3A = arith.constant 0 : index
    %get3A_10 = tpu.vector_load %arg5[%get3A] {strides = array<i32>} : memref<512xi32, #tpu.memory_space<vmem>>, vector<16xi32>,
    %get3A_11 = vector.shape_cast %get3A_10 : vector<16xi32> to vector<16xi32>
    %add3A_12 = arith.addi %mul3A_9, %get3A_11 : vector<16xi32>
    %swap3A = arith.constant 0 : index
    %swap3A_13 = tpu.vector_load %arg6[%swap3A] {strides = array<i32>} : memref<512xi32, #tpu.memory_space<vmem>>, vector<16xi32>,
    %swap3A_14 = vector.shape_cast %swap3A_13 : vector<16xi32> to vector<16xi32>
    %swap3A_15 = vector.shape_cast %add3A_12 : vector<16xi32> to vector<16xi32>
    tpu.vector_store %arg6[%swap3A], %swap3A_15 {strides = array<i32>} : memref<512xi32, #tpu.memory_space<vmem>>, vector<16xi32>,
    %iota3A_16 = tpu.iota {dimensions = array<i32: 0>} : vector<16xi32>
    %add3A_17 = arith.constant 16 : i32
    %add3A_18 = arith.addi %mul3A_2, %add3A_17 : i32
    %add3A_19 = vector.broadcast %add3A_18 : i32 to vector<16xi32>
    %add3A_20 = arith.addi %iota3A_16, %add3A_19 : vector<16xi32>
    %mul3A_21 = arith.constant 1000 : i32
    %mul3A_22 = vector.broadcast %mul3A_21 : i32 to vector<16xi32>
    %mul3A_23 = arith.muli %add3A_20, %mul3A_22 : vector<16xi32>
    %get3A_24 = arith.constant 16 : index
    %get3A_25 = tpu.vector_load %arg5[%get3A_24] {strides = array<i32>} : memref<512xi32, #tpu.memory_space<vmem>>, vector<16xi32>,
    %get3A_26 = vector.shape_cast %get3A_25 : vector<16xi32> to vector<16xi32>
    %add3A_27 = arith.addi %mul3A_23, %get3A_26 : vector<16xi32>
    %swap3A_28 = arith.constant 16 : index
    %swap3A_29 = tpu.vector_load %arg6[%swap3A_28] {strides = array<i32>} : memref<512xi32, #tpu.memory_space<vmem>>, vector<16xi32>,
    %swap3A_30 = vector.shape_cast %swap3A_29 : vector<16xi32> to vector<16xi32>
    %swap3A_31 = vector.shape_cast %add3A_27 : vector<16xi32> to vector<16xi32>
    tpu.vector_store %arg6[%swap3A_28], %swap3A_31 {strides = array<i32>} : memref<512xi32, #tpu.memory_space<vmem>>, vector<16xi32>,
    %iota3A_32 = tpu.iota {dimensions = array<i32: 0>} : vector<16xi32>
    %add3A_33 = arith.constant 32 : i32
    %add3A_34 = arith.addi %mul3A_2, %add3A_33 : i32
    %add3A_35 = vector.broadcast %add3A_34 : i32 to vector<16xi32>
    %add3A_36 = arith.addi %iota3A_32, %add3A_35 : vector<16xi32>
    %mul3A_37 = arith.constant 1000 : i32
    %mul3A_38 = vector.broadcast %mul3A_37 : i32 to vector<16xi32>
    %mul3A_39 = arith.muli %add3A_36, %mul3A_38 : vector<16xi32>
    %get3A_40 = arith.constant 32 : index
    %get3A_41 = tpu.vector_load %arg5[%get3A_40] {strides = array<i32>} : memref<512xi32, #tpu.memory_space<vmem>>, vector<16xi32>,
    %get3A_42 = vector.shape_cast %get3A_41 : vector<16xi32> to vector<16xi32>
    %add3A_43 = arith.addi %mul3A_39, %get3A_42 : vector<16xi32>
    %swap3A_44 = arith.constant 32 : index
    %swap3A_45 = tpu.vector_load %arg6[%swap3A_44] {strides = array<i32>} : memref<512xi32, #tpu.memory_space<vmem>>, vector<16xi32>,
    %swap3A_46 = vector.shape_cast %swap3A_45 : vector<16xi32> to vector<16xi32>
    %swap3A_47 = vector.shape_cast %add3A_43 : vector<16xi32> to vector<16xi32>
    tpu.vector_store %arg6[%swap3A_44], %swap3A_47 {strides = array<i32>} : memref<512xi32, #tpu.memory_space<vmem>>, vector<16xi32>,
    %iota3A_48 = tpu.iota {dimensions = array<i32: 0>} : vector<16xi32>
    %add3A_49 = arith.constant 48 : i32
    %add3A_50 = arith.addi %mul3A_2, %add3A_49 : i32
    %add3A_51 = vector.broadcast %add3A_50 : i32 to vector<16xi32>
    %add3A_52 = arith.addi %iota3A_48, %add3A_51 : vector<16xi32>
    %mul3A_53 = arith.constant 1000 : i32
    %mul3A_54 = vector.broadcast %mul3A_53 : i32 to vector<16xi32>
    %mul3A_55 = arith.muli %add3A_52, %mul3A_54 : vector<16xi32>
    %get3A_56 = arith.constant 48 : index
    %get3A_57 = tpu.vector_load %arg5[%get3A_56] {strides = array<i32>} : memref<512xi32, #tpu.memory_space<vmem>>, vector<16xi32>,
    %get3A_58 = vector.shape_cast %get3A_57 : vector<16xi32> to vector<16xi32>
    %add3A_59 = arith.addi %mul3A_55, %get3A_58 : vector<16xi32>
    %swap3A_60 = arith.constant 48 : index
    %swap3A_61 = tpu.vector_load %arg6[%swap3A_60] {strides = array<i32>} : memref<512xi32, #tpu.memory_space<vmem>>, vector<16xi32>,
    %swap3A_62 = vector.shape_cast %swap3A_61 : vector<16xi32> to vector<16xi32>
    %swap3A_63 = vector.shape_cast %add3A_59 : vector<16xi32> to vector<16xi32>
    tpu.vector_store %arg6[%swap3A_60], %swap3A_63 {strides = array<i32>} : memref<512xi32, #tpu.memory_space<vmem>>, vector<16xi32>,
    %iota3A_64 = tpu.iota {dimensions = array<i32: 0>} : vector<16xi32>
    %add3A_65 = arith.constant 64 : i32
    %add3A_66 = arith.addi %mul3A_2, %add3A_65 : i32
    %add3A_67 = vector.broadcast %add3A_66 : i32 to vector<16xi32>
    %add3A_68 = arith.addi %iota3A_64, %add3A_67 : vector<16xi32>
    %mul3A_69 = arith.constant 1000 : i32
    %mul3A_70 = vector.broadcast %mul3A_69 : i32 to vector<16xi32>
    %mul3A_71 = arith.muli %add3A_68, %mul3A_70 : vector<16xi32>
    %get3A_72 = arith.constant 64 : index
    %get3A_73 = tpu.vector_load %arg5[%get3A_72] {strides = array<i32>} : memref<512xi32, #tpu.memory_space<vmem>>, vector<16xi32>,
    %get3A_74 = vector.shape_cast %get3A_73 : vector<16xi32> to vector<16xi32>
    %add3A_75 = arith.addi %mul3A_71, %get3A_74 : vector<16xi32>
    %swap3A_76 = arith.constant 64 : index
    %swap3A_77 = tpu.vector_load %arg6[%swap3A_76] {strides = array<i32>} : memref<512xi32, #tpu.memory_space<vmem>>, vector<16xi32>,
    %swap3A_78 = vector.shape_cast %swap3A_77 : vector<16xi32> to vector<16xi32>
    %swap3A_79 = vector.shape_cast %add3A_75 : vector<16xi32> to vector<16xi32>
    tpu.vector_store %arg6[%swap3A_76], %swap3A_79 {strides = array<i32>} : memref<512xi32, #tpu.memory_space<vmem>>, vector<16xi32>,
    %iota3A_80 = tpu.iota {dimensions = array<i32: 0>} : vector<16xi32>
    %add3A_81 = arith.constant 80 : i32
    %add3A_82 = arith.addi %mul3A_2, %add3A_81 : i32
    %add3A_83 = vector.broadcast %add3A_82 : i32 to vector<16xi32>
    %add3A_84 = arith.addi %iota3A_80, %add3A_83 : vector<16xi32>
    %mul3A_85 = arith.constant 1000 : i32
    %mul3A_86 = vector.broadcast %mul3A_85 : i32 to vector<16xi32>
    %mul3A_87 = arith.muli %add3A_84, %mul3A_86 : vector<16xi32>
    %get3A_88 = arith.constant 80 : index
    %get3A_89 = tpu.vector_load %arg5[%get3A_88] {strides = array<i32>} : memref<512xi32, #tpu.memory_space<vmem>>, vector<16xi32>,
    %get3A_90 = vector.shape_cast %get3A_89 : vector<16xi32> to vector<16xi32>
    %add3A_91 = arith.addi %mul3A_87, %get3A_90 : vector<16xi32>
    %swap3A_92 = arith.constant 80 : index
    %swap3A_93 = tpu.vector_load %arg6[%swap3A_92] {strides = array<i32>} : memref<512xi32, #tpu.memory_space<vmem>>, vector<16xi32>,
    %swap3A_94 = vector.shape_cast %swap3A_93 : vector<16xi32> to vector<16xi32>
    %swap3A_95 = vector.shape_cast %add3A_91 : vector<16xi32> to vector<16xi32>
    tpu.vector_store %arg6[%swap3A_92], %swap3A_95 {strides = array<i32>} : memref<512xi32, #tpu.memory_space<vmem>>, vector<16xi32>,
    %iota3A_96 = tpu.iota {dimensions = array<i32: 0>} : vector<16xi32>
    %add3A_97 = arith.constant 96 : i32
    %add3A_98 = arith.addi %mul3A_2, %add3A_97 : i32
    %add3A_99 = vector.broadcast %add3A_98 : i32 to vector<16xi32>
    %add3A_100 = arith.addi %iota3A_96, %add3A_99 : vector<16xi32>
    %mul3A_101 = arith.constant 1000 : i32
    %mul3A_102 = vector.broadcast %mul3A_101 : i32 to vector<16xi32>
    %mul3A_103 = arith.muli %add3A_100, %mul3A_102 : vector<16xi32>
    %get3A_104 = arith.constant 96 : index
    %get3A_105 = tpu.vector_load %arg5[%get3A_104] {strides = array<i32>} : memref<512xi32, #tpu.memory_space<vmem>>, vector<16xi32>,
    %get3A_106 = vector.shape_cast %get3A_105 : vector<16xi32> to vector<16xi32>
    %add3A_107 = arith.addi %mul3A_103, %get3A_106 : vector<16xi32>
    %swap3A_108 = arith.constant 96 : index
    %swap3A_109 = tpu.vector_load %arg6[%swap3A_108] {strides = array<i32>} : memref<512xi32, #tpu.memory_space<vmem>>, vector<16xi32>,
    %swap3A_110 = vector.shape_cast %swap3A_109 : vector<16xi32> to vector<16xi32>
    %swap3A_111 = vector.shape_cast %add3A_107 : vector<16xi32> to vector<16xi32>
    tpu.vector_store %arg6[%swap3A_108], %swap3A_111 {strides = array<i32>} : memref<512xi32, #tpu.memory_space<vmem>>, vector<16xi32>,
    %iota3A_112 = tpu.iota {dimensions = array<i32: 0>} : vector<16xi32>
    %add3A_113 = arith.constant 112 : i32
    %add3A_114 = arith.addi %mul3A_2, %add3A_113 : i32
    %add3A_115 = vector.broadcast %add3A_114 : i32 to vector<16xi32>
    %add3A_116 = arith.addi %iota3A_112, %add3A_115 : vector<16xi32>
    %mul3A_117 = arith.constant 1000 : i32
    %mul3A_118 = vector.broadcast %mul3A_117 : i32 to vector<16xi32>
    %mul3A_119 = arith.muli %add3A_116, %mul3A_118 : vector<16xi32>
    %get3A_120 = arith.constant 112 : index
    %get3A_121 = tpu.vector_load %arg5[%get3A_120] {strides = array<i32>} : memref<512xi32, #tpu.memory_space<vmem>>, vector<16xi32>,
    %get3A_122 = vector.shape_cast %get3A_121 : vector<16xi32> to vector<16xi32>
    %add3A_123 = arith.addi %mul3A_119, %get3A_122 : vector<16xi32>
    %swap3A_124 = arith.constant 112 : index
    %swap3A_125 = tpu.vector_load %arg6[%swap3A_124] {strides = array<i32>} : memref<512xi32, #tpu.memory_space<vmem>>, vector<16xi32>,
    %swap3A_126 = vector.shape_cast %swap3A_125 : vector<16xi32> to vector<16xi32>
    %swap3A_127 = vector.shape_cast %add3A_123 : vector<16xi32> to vector<16xi32>
    tpu.vector_store %arg6[%swap3A_124], %swap3A_127 {strides = array<i32>} : memref<512xi32, #tpu.memory_space<vmem>>, vector<16xi32>,
    %iota3A_128 = tpu.iota {dimensions = array<i32: 0>} : vector<16xi32>
    %add3A_129 = arith.constant 128 : i32
    %add3A_130 = arith.addi %mul3A_2, %add3A_129 : i32
    %add3A_131 = vector.broadcast %add3A_130 : i32 to vector<16xi32>
    %add3A_132 = arith.addi %iota3A_128, %add3A_131 : vector<16xi32>
    %mul3A_133 = arith.constant 1000 : i32
    %mul3A_134 = vector.broadcast %mul3A_133 : i32 to vector<16xi32>
    %mul3A_135 = arith.muli %add3A_132, %mul3A_134 : vector<16xi32>
    %get3A_136 = arith.constant 128 : index
    %get3A_137 = tpu.vector_load %arg5[%get3A_136] {strides = array<i32>} : memref<512xi32, #tpu.memory_space<vmem>>, vector<16xi32>,
    %get3A_138 = vector.shape_cast %get3A_137 : vector<16xi32> to vector<16xi32>
    %add3A_139 = arith.addi %mul3A_135, %get3A_138 : vector<16xi32>
    %swap3A_140 = arith.constant 128 : index
    %swap3A_141 = tpu.vector_load %arg6[%swap3A_140] {strides = array<i32>} : memref<512xi32, #tpu.memory_space<vmem>>, vector<16xi32>,
    %swap3A_142 = vector.shape_cast %swap3A_141 : vector<16xi32> to vector<16xi32>
    %swap3A_143 = vector.shape_cast %add3A_139 : vector<16xi32> to vector<16xi32>
    tpu.vector_store %arg6[%swap3A_140], %swap3A_143 {strides = array<i32>} : memref<512xi32, #tpu.memory_space<vmem>>, vector<16xi32>,
    %iota3A_144 = tpu.iota {dimensions = array<i32: 0>} : vector<16xi32>
    %add3A_145 = arith.constant 144 : i32
    %add3A_146 = arith.addi %mul3A_2, %add3A_145 : i32
    %add3A_147 = vector.broadcast %add3A_146 : i32 to vector<16xi32>
    %add3A_148 = arith.addi %iota3A_144, %add3A_147 : vector<16xi32>
    %mul3A_149 = arith.constant 1000 : i32
    %mul3A_150 = vector.broadcast %mul3A_149 : i32 to vector<16xi32>
    %mul3A_151 = arith.muli %add3A_148, %mul3A_150 : vector<16xi32>
    %get3A_152 = arith.constant 144 : index
    %get3A_153 = tpu.vector_load %arg5[%get3A_152] {strides = array<i32>} : memref<512xi32, #tpu.memory_space<vmem>>, vector<16xi32>,
    %get3A_154 = vector.shape_cast %get3A_153 : vector<16xi32> to vector<16xi32>
    %add3A_155 = arith.addi %mul3A_151, %get3A_154 : vector<16xi32>
    %swap3A_156 = arith.constant 144 : index
    %swap3A_157 = tpu.vector_load %arg6[%swap3A_156] {strides = array<i32>} : memref<512xi32, #tpu.memory_space<vmem>>, vector<16xi32>,
    %swap3A_158 = vector.shape_cast %swap3A_157 : vector<16xi32> to vector<16xi32>
    %swap3A_159 = vector.shape_cast %add3A_155 : vector<16xi32> to vector<16xi32>
    tpu.vector_store %arg6[%swap3A_156], %swap3A_159 {strides = array<i32>} : memref<512xi32, #tpu.memory_space<vmem>>, vector<16xi32>,
    %iota3A_160 = tpu.iota {dimensions = array<i32: 0>} : vector<16xi32>
    %add3A_161 = arith.constant 160 : i32
    %add3A_162 = arith.addi %mul3A_2, %add3A_161 : i32
    %add3A_163 = vector.broadcast %add3A_162 : i32 to vector<16xi32>
    %add3A_164 = arith.addi %iota3A_160, %add3A_163 : vector<16xi32>
    %mul3A_165 = arith.constant 1000 : i32
    %mul3A_166 = vector.broadcast %mul3A_165 : i32 to vector<16xi32>
    %mul3A_167 = arith.muli %add3A_164, %mul3A_166 : vector<16xi32>
    %get3A_168 = arith.constant 160 : index
    %get3A_169 = tpu.vector_load %arg5[%get3A_168] {strides = array<i32>} : memref<512xi32, #tpu.memory_space<vmem>>, vector<16xi32>,
    %get3A_170 = vector.shape_cast %get3A_169 : vector<16xi32> to vector<16xi32>
    %add3A_171 = arith.addi %mul3A_167, %get3A_170 : vector<16xi32>
    %swap3A_172 = arith.constant 160 : index
    %swap3A_173 = tpu.vector_load %arg6[%swap3A_172] {strides = array<i32>} : memref<512xi32, #tpu.memory_space<vmem>>, vector<16xi32>,
    %swap3A_174 = vector.shape_cast %swap3A_173 : vector<16xi32> to vector<16xi32>
    %swap3A_175 = vector.shape_cast %add3A_171 : vector<16xi32> to vector<16xi32>
    tpu.vector_store %arg6[%swap3A_172], %swap3A_175 {strides = array<i32>} : memref<512xi32, #tpu.memory_space<vmem>>, vector<16xi32>,
    %iota3A_176 = tpu.iota {dimensions = array<i32: 0>} : vector<16xi32>
    %add3A_177 = arith.constant 176 : i32
    %add3A_178 = arith.addi %mul3A_2, %add3A_177 : i32
    %add3A_179 = vector.broadcast %add3A_178 : i32 to vector<16xi32>
    %add3A_180 = arith.addi %iota3A_176, %add3A_179 : vector<16xi32>
    %mul3A_181 = arith.constant 1000 : i32
    %mul3A_182 = vector.broadcast %mul3A_181 : i32 to vector<16xi32>
    %mul3A_183 = arith.muli %add3A_180, %mul3A_182 : vector<16xi32>
    %get3A_184 = arith.constant 176 : index
    %get3A_185 = tpu.vector_load %arg5[%get3A_184] {strides = array<i32>} : memref<512xi32, #tpu.memory_space<vmem>>, vector<16xi32>,
    %get3A_186 = vector.shape_cast %get3A_185 : vector<16xi32> to vector<16xi32>
    %add3A_187 = arith.addi %mul3A_183, %get3A_186 : vector<16xi32>
    %swap3A_188 = arith.constant 176 : index
    %swap3A_189 = tpu.vector_load %arg6[%swap3A_188] {strides = array<i32>} : memref<512xi32, #tpu.memory_space<vmem>>, vector<16xi32>,
    %swap3A_190 = vector.shape_cast %swap3A_189 : vector<16xi32> to vector<16xi32>
    %swap3A_191 = vector.shape_cast %add3A_187 : vector<16xi32> to vector<16xi32>
    tpu.vector_store %arg6[%swap3A_188], %swap3A_191 {strides = array<i32>} : memref<512xi32, #tpu.memory_space<vmem>>, vector<16xi32>,
    %iota3A_192 = tpu.iota {dimensions = array<i32: 0>} : vector<16xi32>
    %add3A_193 = arith.constant 192 : i32
    %add3A_194 = arith.addi %mul3A_2, %add3A_193 : i32
    %add3A_195 = vector.broadcast %add3A_194 : i32 to vector<16xi32>
    %add3A_196 = arith.addi %iota3A_192, %add3A_195 : vector<16xi32>
    %mul3A_197 = arith.constant 1000 : i32
    %mul3A_198 = vector.broadcast %mul3A_197 : i32 to vector<16xi32>
    %mul3A_199 = arith.muli %add3A_196, %mul3A_198 : vector<16xi32>
    %get3A_200 = arith.constant 192 : index
    %get3A_201 = tpu.vector_load %arg5[%get3A_200] {strides = array<i32>} : memref<512xi32, #tpu.memory_space<vmem>>, vector<16xi32>,
    %get3A_202 = vector.shape_cast %get3A_201 : vector<16xi32> to vector<16xi32>
    %add3A_203 = arith.addi %mul3A_199, %get3A_202 : vector<16xi32>
    %swap3A_204 = arith.constant 192 : index
    %swap3A_205 = tpu.vector_load %arg6[%swap3A_204] {strides = array<i32>} : memref<512xi32, #tpu.memory_space<vmem>>, vector<16xi32>,
    %swap3A_206 = vector.shape_cast %swap3A_205 : vector<16xi32> to vector<16xi32>
    %swap3A_207 = vector.shape_cast %add3A_203 : vector<16xi32> to vector<16xi32>
    tpu.vector_store %arg6[%swap3A_204], %swap3A_207 {strides = array<i32>} : memref<512xi32, #tpu.memory_space<vmem>>, vector<16xi32>,
    %iota3A_208 = tpu.iota {dimensions = array<i32: 0>} : vector<16xi32>
    %add3A_209 = arith.constant 208 : i32
    %add3A_210 = arith.addi %mul3A_2, %add3A_209 : i32
    %add3A_211 = vector.broadcast %add3A_210 : i32 to vector<16xi32>
    %add3A_212 = arith.addi %iota3A_208, %add3A_211 : vector<16xi32>
    %mul3A_213 = arith.constant 1000 : i32
    %mul3A_214 = vector.broadcast %mul3A_213 : i32 to vector<16xi32>
    %mul3A_215 = arith.muli %add3A_212, %mul3A_214 : vector<16xi32>
    %get3A_216 = arith.constant 208 : index
    %get3A_217 = tpu.vector_load %arg5[%get3A_216] {strides = array<i32>} : memref<512xi32, #tpu.memory_space<vmem>>, vector<16xi32>,
    %get3A_218 = vector.shape_cast %get3A_217 : vector<16xi32> to vector<16xi32>
    %add3A_219 = arith.addi %mul3A_215, %get3A_218 : vector<16xi32>
    %swap3A_220 = arith.constant 208 : index
    %swap3A_221 = tpu.vector_load %arg6[%swap3A_220] {strides = array<i32>} : memref<512xi32, #tpu.memory_space<vmem>>, vector<16xi32>,
    %swap3A_222 = vector.shape_cast %swap3A_221 : vector<16xi32> to vector<16xi32>
    %swap3A_223 = vector.shape_cast %add3A_219 : vector<16xi32> to vector<16xi32>
    tpu.vector_store %arg6[%swap3A_220], %swap3A_223 {strides = array<i32>} : memref<512xi32, #tpu.memory_space<vmem>>, vector<16xi32>,
    %iota3A_224 = tpu.iota {dimensions = array<i32: 0>} : vector<16xi32>
    %add3A_225 = arith.constant 224 : i32
    %add3A_226 = arith.addi %mul3A_2, %add3A_225 : i32
    %add3A_227 = vector.broadcast %add3A_226 : i32 to vector<16xi32>
    %add3A_228 = arith.addi %iota3A_224, %add3A_227 : vector<16xi32>
    %mul3A_229 = arith.constant 1000 : i32
    %mul3A_230 = vector.broadcast %mul3A_229 : i32 to vector<16xi32>
    %mul3A_231 = arith.muli %add3A_228, %mul3A_230 : vector<16xi32>
    %get3A_232 = arith.constant 224 : index
    %get3A_233 = tpu.vector_load %arg5[%get3A_232] {strides = array<i32>} : memref<512xi32, #tpu.memory_space<vmem>>, vector<16xi32>,
    %get3A_234 = vector.shape_cast %get3A_233 : vector<16xi32> to vector<16xi32>
    %add3A_235 = arith.addi %mul3A_231, %get3A_234 : vector<16xi32>
    %swap3A_236 = arith.constant 224 : index
    %swap3A_237 = tpu.vector_load %arg6[%swap3A_236] {strides = array<i32>} : memref<512xi32, #tpu.memory_space<vmem>>, vector<16xi32>,
    %swap3A_238 = vector.shape_cast %swap3A_237 : vector<16xi32> to vector<16xi32>
    %swap3A_239 = vector.shape_cast %add3A_235 : vector<16xi32> to vector<16xi32>
    tpu.vector_store %arg6[%swap3A_236], %swap3A_239 {strides = array<i32>} : memref<512xi32, #tpu.memory_space<vmem>>, vector<16xi32>,
    %iota3A_240 = tpu.iota {dimensions = array<i32: 0>} : vector<16xi32>
    %add3A_241 = arith.constant 240 : i32
    %add3A_242 = arith.addi %mul3A_2, %add3A_241 : i32
    %add3A_243 = vector.broadcast %add3A_242 : i32 to vector<16xi32>
    %add3A_244 = arith.addi %iota3A_240, %add3A_243 : vector<16xi32>
    %mul3A_245 = arith.constant 1000 : i32
    %mul3A_246 = vector.broadcast %mul3A_245 : i32 to vector<16xi32>
    %mul3A_247 = arith.muli %add3A_244, %mul3A_246 : vector<16xi32>
    %get3A_248 = arith.constant 240 : index
    %get3A_249 = tpu.vector_load %arg5[%get3A_248] {strides = array<i32>} : memref<512xi32, #tpu.memory_space<vmem>>, vector<16xi32>,
    %get3A_250 = vector.shape_cast %get3A_249 : vector<16xi32> to vector<16xi32>
    %add3A_251 = arith.addi %mul3A_247, %get3A_250 : vector<16xi32>
    %swap3A_252 = arith.constant 240 : index
    %swap3A_253 = tpu.vector_load %arg6[%swap3A_252] {strides = array<i32>} : memref<512xi32, #tpu.memory_space<vmem>>, vector<16xi32>,
    %swap3A_254 = vector.shape_cast %swap3A_253 : vector<16xi32> to vector<16xi32>
    %swap3A_255 = vector.shape_cast %add3A_251 : vector<16xi32> to vector<16xi32>
    tpu.vector_store %arg6[%swap3A_252], %swap3A_255 {strides = array<i32>} : memref<512xi32, #tpu.memory_space<vmem>>, vector<16xi32>,
    %iota3A_256 = tpu.iota {dimensions = array<i32: 0>} : vector<16xi32>
    %add3A_257 = arith.constant 256 : i32
    %add3A_258 = arith.addi %mul3A_2, %add3A_257 : i32
    %add3A_259 = vector.broadcast %add3A_258 : i32 to vector<16xi32>
    %add3A_260 = arith.addi %iota3A_256, %add3A_259 : vector<16xi32>
    %mul3A_261 = arith.constant 1000 : i32
    %mul3A_262 = vector.broadcast %mul3A_261 : i32 to vector<16xi32>
    %mul3A_263 = arith.muli %add3A_260, %mul3A_262 : vector<16xi32>
    %get3A_264 = arith.constant 256 : index
    %get3A_265 = tpu.vector_load %arg5[%get3A_264] {strides = array<i32>} : memref<512xi32, #tpu.memory_space<vmem>>, vector<16xi32>,
    %get3A_266 = vector.shape_cast %get3A_265 : vector<16xi32> to vector<16xi32>
    %add3A_267 = arith.addi %mul3A_263, %get3A_266 : vector<16xi32>
    %swap3A_268 = arith.constant 256 : index
    %swap3A_269 = tpu.vector_load %arg6[%swap3A_268] {strides = array<i32>} : memref<512xi32, #tpu.memory_space<vmem>>, vector<16xi32>,
    %swap3A_270 = vector.shape_cast %swap3A_269 : vector<16xi32> to vector<16xi32>
    %swap3A_271 = vector.shape_cast %add3A_267 : vector<16xi32> to vector<16xi32>
    tpu.vector_store %arg6[%swap3A_268], %swap3A_271 {strides = array<i32>} : memref<512xi32, #tpu.memory_space<vmem>>, vector<16xi32>,
    %iota3A_272 = tpu.iota {dimensions = array<i32: 0>} : vector<16xi32>
    %add3A_273 = arith.constant 272 : i32
    %add3A_274 = arith.addi %mul3A_2, %add3A_273 : i32
    %add3A_275 = vector.broadcast %add3A_274 : i32 to vector<16xi32>
    %add3A_276 = arith.addi %iota3A_272, %add3A_275 : vector<16xi32>
    %mul3A_277 = arith.constant 1000 : i32
    %mul3A_278 = vector.broadcast %mul3A_277 : i32 to vector<16xi32>
    %mul3A_279 = arith.muli %add3A_276, %mul3A_278 : vector<16xi32>
    %get3A_280 = arith.constant 272 : index
    %get3A_281 = tpu.vector_load %arg5[%get3A_280] {strides = array<i32>} : memref<512xi32, #tpu.memory_space<vmem>>, vector<16xi32>,
    %get3A_282 = vector.shape_cast %get3A_281 : vector<16xi32> to vector<16xi32>
    %add3A_283 = arith.addi %mul3A_279, %get3A_282 : vector<16xi32>
    %swap3A_284 = arith.constant 272 : index
    %swap3A_285 = tpu.vector_load %arg6[%swap3A_284] {strides = array<i32>} : memref<512xi32, #tpu.memory_space<vmem>>, vector<16xi32>,
    %swap3A_286 = vector.shape_cast %swap3A_285 : vector<16xi32> to vector<16xi32>
    %swap3A_287 = vector.shape_cast %add3A_283 : vector<16xi32> to vector<16xi32>
    tpu.vector_store %arg6[%swap3A_284], %swap3A_287 {strides = array<i32>} : memref<512xi32, #tpu.memory_space<vmem>>, vector<16xi32>,
    %iota3A_288 = tpu.iota {dimensions = array<i32: 0>} : vector<16xi32>
    %add3A_289 = arith.constant 288 : i32
    %add3A_290 = arith.addi %mul3A_2, %add3A_289 : i32
    %add3A_291 = vector.broadcast %add3A_290 : i32 to vector<16xi32>
    %add3A_292 = arith.addi %iota3A_288, %add3A_291 : vector<16xi32>
    %mul3A_293 = arith.constant 1000 : i32
    %mul3A_294 = vector.broadcast %mul3A_293 : i32 to vector<16xi32>
    %mul3A_295 = arith.muli %add3A_292, %mul3A_294 : vector<16xi32>
    %get3A_296 = arith.constant 288 : index
    %get3A_297 = tpu.vector_load %arg5[%get3A_296] {strides = array<i32>} : memref<512xi32, #tpu.memory_space<vmem>>, vector<16xi32>,
    %get3A_298 = vector.shape_cast %get3A_297 : vector<16xi32> to vector<16xi32>
    %add3A_299 = arith.addi %mul3A_295, %get3A_298 : vector<16xi32>
    %swap3A_300 = arith.constant 288 : index
    %swap3A_301 = tpu.vector_load %arg6[%swap3A_300] {strides = array<i32>} : memref<512xi32, #tpu.memory_space<vmem>>, vector<16xi32>,
    %swap3A_302 = vector.shape_cast %swap3A_301 : vector<16xi32> to vector<16xi32>
    %swap3A_303 = vector.shape_cast %add3A_299 : vector<16xi32> to vector<16xi32>
    tpu.vector_store %arg6[%swap3A_300], %swap3A_303 {strides = array<i32>} : memref<512xi32, #tpu.memory_space<vmem>>, vector<16xi32>,
    %iota3A_304 = tpu.iota {dimensions = array<i32: 0>} : vector<16xi32>
    %add3A_305 = arith.constant 304 : i32
    %add3A_306 = arith.addi %mul3A_2, %add3A_305 : i32
    %add3A_307 = vector.broadcast %add3A_306 : i32 to vector<16xi32>
    %add3A_308 = arith.addi %iota3A_304, %add3A_307 : vector<16xi32>
    %mul3A_309 = arith.constant 1000 : i32
    %mul3A_310 = vector.broadcast %mul3A_309 : i32 to vector<16xi32>
    %mul3A_311 = arith.muli %add3A_308, %mul3A_310 : vector<16xi32>
    %get3A_312 = arith.constant 304 : index
    %get3A_313 = tpu.vector_load %arg5[%get3A_312] {strides = array<i32>} : memref<512xi32, #tpu.memory_space<vmem>>, vector<16xi32>,
    %get3A_314 = vector.shape_cast %get3A_313 : vector<16xi32> to vector<16xi32>
    %add3A_315 = arith.addi %mul3A_311, %get3A_314 : vector<16xi32>
    %swap3A_316 = arith.constant 304 : index
    %swap3A_317 = tpu.vector_load %arg6[%swap3A_316] {strides = array<i32>} : memref<512xi32, #tpu.memory_space<vmem>>, vector<16xi32>,
    %swap3A_318 = vector.shape_cast %swap3A_317 : vector<16xi32> to vector<16xi32>
    %swap3A_319 = vector.shape_cast %add3A_315 : vector<16xi32> to vector<16xi32>
    tpu.vector_store %arg6[%swap3A_316], %swap3A_319 {strides = array<i32>} : memref<512xi32, #tpu.memory_space<vmem>>, vector<16xi32>,
    %iota3A_320 = tpu.iota {dimensions = array<i32: 0>} : vector<16xi32>
    %add3A_321 = arith.constant 320 : i32
    %add3A_322 = arith.addi %mul3A_2, %add3A_321 : i32
    %add3A_323 = vector.broadcast %add3A_322 : i32 to vector<16xi32>
    %add3A_324 = arith.addi %iota3A_320, %add3A_323 : vector<16xi32>
    %mul3A_325 = arith.constant 1000 : i32
    %mul3A_326 = vector.broadcast %mul3A_325 : i32 to vector<16xi32>
    %mul3A_327 = arith.muli %add3A_324, %mul3A_326 : vector<16xi32>
    %get3A_328 = arith.constant 320 : index
    %get3A_329 = tpu.vector_load %arg5[%get3A_328] {strides = array<i32>} : memref<512xi32, #tpu.memory_space<vmem>>, vector<16xi32>,
    %get3A_330 = vector.shape_cast %get3A_329 : vector<16xi32> to vector<16xi32>
    %add3A_331 = arith.addi %mul3A_327, %get3A_330 : vector<16xi32>
    %swap3A_332 = arith.constant 320 : index
    %swap3A_333 = tpu.vector_load %arg6[%swap3A_332] {strides = array<i32>} : memref<512xi32, #tpu.memory_space<vmem>>, vector<16xi32>,
    %swap3A_334 = vector.shape_cast %swap3A_333 : vector<16xi32> to vector<16xi32>
    %swap3A_335 = vector.shape_cast %add3A_331 : vector<16xi32> to vector<16xi32>
    tpu.vector_store %arg6[%swap3A_332], %swap3A_335 {strides = array<i32>} : memref<512xi32, #tpu.memory_space<vmem>>, vector<16xi32>,
    %iota3A_336 = tpu.iota {dimensions = array<i32: 0>} : vector<16xi32>
    %add3A_337 = arith.constant 336 : i32
    %add3A_338 = arith.addi %mul3A_2, %add3A_337 : i32
    %add3A_339 = vector.broadcast %add3A_338 : i32 to vector<16xi32>
    %add3A_340 = arith.addi %iota3A_336, %add3A_339 : vector<16xi32>
    %mul3A_341 = arith.constant 1000 : i32
    %mul3A_342 = vector.broadcast %mul3A_341 : i32 to vector<16xi32>
    %mul3A_343 = arith.muli %add3A_340, %mul3A_342 : vector<16xi32>
    %get3A_344 = arith.constant 336 : index
    %get3A_345 = tpu.vector_load %arg5[%get3A_344] {strides = array<i32>} : memref<512xi32, #tpu.memory_space<vmem>>, vector<16xi32>,
    %get3A_346 = vector.shape_cast %get3A_345 : vector<16xi32> to vector<16xi32>
    %add3A_347 = arith.addi %mul3A_343, %get3A_346 : vector<16xi32>
    %swap3A_348 = arith.constant 336 : index
    %swap3A_349 = tpu.vector_load %arg6[%swap3A_348] {strides = array<i32>} : memref<512xi32, #tpu.memory_space<vmem>>, vector<16xi32>,
    %swap3A_350 = vector.shape_cast %swap3A_349 : vector<16xi32> to vector<16xi32>
    %swap3A_351 = vector.shape_cast %add3A_347 : vector<16xi32> to vector<16xi32>
    tpu.vector_store %arg6[%swap3A_348], %swap3A_351 {strides = array<i32>} : memref<512xi32, #tpu.memory_space<vmem>>, vector<16xi32>,
    %iota3A_352 = tpu.iota {dimensions = array<i32: 0>} : vector<16xi32>
    %add3A_353 = arith.constant 352 : i32
    %add3A_354 = arith.addi %mul3A_2, %add3A_353 : i32
    %add3A_355 = vector.broadcast %add3A_354 : i32 to vector<16xi32>
    %add3A_356 = arith.addi %iota3A_352, %add3A_355 : vector<16xi32>
    %mul3A_357 = arith.constant 1000 : i32
    %mul3A_358 = vector.broadcast %mul3A_357 : i32 to vector<16xi32>
    %mul3A_359 = arith.muli %add3A_356, %mul3A_358 : vector<16xi32>
    %get3A_360 = arith.constant 352 : index
    %get3A_361 = tpu.vector_load %arg5[%get3A_360] {strides = array<i32>} : memref<512xi32, #tpu.memory_space<vmem>>, vector<16xi32>,
    %get3A_362 = vector.shape_cast %get3A_361 : vector<16xi32> to vector<16xi32>
    %add3A_363 = arith.addi %mul3A_359, %get3A_362 : vector<16xi32>
    %swap3A_364 = arith.constant 352 : index
    %swap3A_365 = tpu.vector_load %arg6[%swap3A_364] {strides = array<i32>} : memref<512xi32, #tpu.memory_space<vmem>>, vector<16xi32>,
    %swap3A_366 = vector.shape_cast %swap3A_365 : vector<16xi32> to vector<16xi32>
    %swap3A_367 = vector.shape_cast %add3A_363 : vector<16xi32> to vector<16xi32>
    tpu.vector_store %arg6[%swap3A_364], %swap3A_367 {strides = array<i32>} : memref<512xi32, #tpu.memory_space<vmem>>, vector<16xi32>,
    %iota3A_368 = tpu.iota {dimensions = array<i32: 0>} : vector<16xi32>
    %add3A_369 = arith.constant 368 : i32
    %add3A_370 = arith.addi %mul3A_2, %add3A_369 : i32
    %add3A_371 = vector.broadcast %add3A_370 : i32 to vector<16xi32>
    %add3A_372 = arith.addi %iota3A_368, %add3A_371 : vector<16xi32>
    %mul3A_373 = arith.constant 1000 : i32
    %mul3A_374 = vector.broadcast %mul3A_373 : i32 to vector<16xi32>
    %mul3A_375 = arith.muli %add3A_372, %mul3A_374 : vector<16xi32>
    %get3A_376 = arith.constant 368 : index
    %get3A_377 = tpu.vector_load %arg5[%get3A_376] {strides = array<i32>} : memref<512xi32, #tpu.memory_space<vmem>>, vector<16xi32>,
    %get3A_378 = vector.shape_cast %get3A_377 : vector<16xi32> to vector<16xi32>
    %add3A_379 = arith.addi %mul3A_375, %get3A_378 : vector<16xi32>
    %swap3A_380 = arith.constant 368 : index
    %swap3A_381 = tpu.vector_load %arg6[%swap3A_380] {strides = array<i32>} : memref<512xi32, #tpu.memory_space<vmem>>, vector<16xi32>,
    %swap3A_382 = vector.shape_cast %swap3A_381 : vector<16xi32> to vector<16xi32>
    %swap3A_383 = vector.shape_cast %add3A_379 : vector<16xi32> to vector<16xi32>
    tpu.vector_store %arg6[%swap3A_380], %swap3A_383 {strides = array<i32>} : memref<512xi32, #tpu.memory_space<vmem>>, vector<16xi32>,
    %iota3A_384 = tpu.iota {dimensions = array<i32: 0>} : vector<16xi32>
    %add3A_385 = arith.constant 384 : i32
    %add3A_386 = arith.addi %mul3A_2, %add3A_385 : i32
    %add3A_387 = vector.broadcast %add3A_386 : i32 to vector<16xi32>
    %add3A_388 = arith.addi %iota3A_384, %add3A_387 : vector<16xi32>
    %mul3A_389 = arith.constant 1000 : i32
    %mul3A_390 = vector.broadcast %mul3A_389 : i32 to vector<16xi32>
    %mul3A_391 = arith.muli %add3A_388, %mul3A_390 : vector<16xi32>
    %get3A_392 = arith.constant 384 : index
    %get3A_393 = tpu.vector_load %arg5[%get3A_392] {strides = array<i32>} : memref<512xi32, #tpu.memory_space<vmem>>, vector<16xi32>,
    %get3A_394 = vector.shape_cast %get3A_393 : vector<16xi32> to vector<16xi32>
    %add3A_395 = arith.addi %mul3A_391, %get3A_394 : vector<16xi32>
    %swap3A_396 = arith.constant 384 : index
    %swap3A_397 = tpu.vector_load %arg6[%swap3A_396] {strides = array<i32>} : memref<512xi32, #tpu.memory_space<vmem>>, vector<16xi32>,
    %swap3A_398 = vector.shape_cast %swap3A_397 : vector<16xi32> to vector<16xi32>
    %swap3A_399 = vector.shape_cast %add3A_395 : vector<16xi32> to vector<16xi32>
    tpu.vector_store %arg6[%swap3A_396], %swap3A_399 {strides = array<i32>} : memref<512xi32, #tpu.memory_space<vmem>>, vector<16xi32>,
    %iota3A_400 = tpu.iota {dimensions = array<i32: 0>} : vector<16xi32>
    %add3A_401 = arith.constant 400 : i32
    %add3A_402 = arith.addi %mul3A_2, %add3A_401 : i32
    %add3A_403 = vector.broadcast %add3A_402 : i32 to vector<16xi32>
    %add3A_404 = arith.addi %iota3A_400, %add3A_403 : vector<16xi32>
    %mul3A_405 = arith.constant 1000 : i32
    %mul3A_406 = vector.broadcast %mul3A_405 : i32 to vector<16xi32>
    %mul3A_407 = arith.muli %add3A_404, %mul3A_406 : vector<16xi32>
    %get3A_408 = arith.constant 400 : index
    %get3A_409 = tpu.vector_load %arg5[%get3A_408] {strides = array<i32>} : memref<512xi32, #tpu.memory_space<vmem>>, vector<16xi32>,
    %get3A_410 = vector.shape_cast %get3A_409 : vector<16xi32> to vector<16xi32>
    %add3A_411 = arith.addi %mul3A_407, %get3A_410 : vector<16xi32>
    %swap3A_412 = arith.constant 400 : index
    %swap3A_413 = tpu.vector_load %arg6[%swap3A_412] {strides = array<i32>} : memref<512xi32, #tpu.memory_space<vmem>>, vector<16xi32>,
    %swap3A_414 = vector.shape_cast %swap3A_413 : vector<16xi32> to vector<16xi32>
    %swap3A_415 = vector.shape_cast %add3A_411 : vector<16xi32> to vector<16xi32>
    tpu.vector_store %arg6[%swap3A_412], %swap3A_415 {strides = array<i32>} : memref<512xi32, #tpu.memory_space<vmem>>, vector<16xi32>,
    %iota3A_416 = tpu.iota {dimensions = array<i32: 0>} : vector<16xi32>
    %add3A_417 = arith.constant 416 : i32
    %add3A_418 = arith.addi %mul3A_2, %add3A_417 : i32
    %add3A_419 = vector.broadcast %add3A_418 : i32 to vector<16xi32>
    %add3A_420 = arith.addi %iota3A_416, %add3A_419 : vector<16xi32>
    %mul3A_421 = arith.constant 1000 : i32
    %mul3A_422 = vector.broadcast %mul3A_421 : i32 to vector<16xi32>
    %mul3A_423 = arith.muli %add3A_420, %mul3A_422 : vector<16xi32>
    %get3A_424 = arith.constant 416 : index
    %get3A_425 = tpu.vector_load %arg5[%get3A_424] {strides = array<i32>} : memref<512xi32, #tpu.memory_space<vmem>>, vector<16xi32>,
    %get3A_426 = vector.shape_cast %get3A_425 : vector<16xi32> to vector<16xi32>
    %add3A_427 = arith.addi %mul3A_423, %get3A_426 : vector<16xi32>
    %swap3A_428 = arith.constant 416 : index
    %swap3A_429 = tpu.vector_load %arg6[%swap3A_428] {strides = array<i32>} : memref<512xi32, #tpu.memory_space<vmem>>, vector<16xi32>,
    %swap3A_430 = vector.shape_cast %swap3A_429 : vector<16xi32> to vector<16xi32>
    %swap3A_431 = vector.shape_cast %add3A_427 : vector<16xi32> to vector<16xi32>
    tpu.vector_store %arg6[%swap3A_428], %swap3A_431 {strides = array<i32>} : memref<512xi32, #tpu.memory_space<vmem>>, vector<16xi32>,
    %iota3A_432 = tpu.iota {dimensions = array<i32: 0>} : vector<16xi32>
    %add3A_433 = arith.constant 432 : i32
    %add3A_434 = arith.addi %mul3A_2, %add3A_433 : i32
    %add3A_435 = vector.broadcast %add3A_434 : i32 to vector<16xi32>
    %add3A_436 = arith.addi %iota3A_432, %add3A_435 : vector<16xi32>
    %mul3A_437 = arith.constant 1000 : i32
    %mul3A_438 = vector.broadcast %mul3A_437 : i32 to vector<16xi32>
    %mul3A_439 = arith.muli %add3A_436, %mul3A_438 : vector<16xi32>
    %get3A_440 = arith.constant 432 : index
    %get3A_441 = tpu.vector_load %arg5[%get3A_440] {strides = array<i32>} : memref<512xi32, #tpu.memory_space<vmem>>, vector<16xi32>,
    %get3A_442 = vector.shape_cast %get3A_441 : vector<16xi32> to vector<16xi32>
    %add3A_443 = arith.addi %mul3A_439, %get3A_442 : vector<16xi32>
    %swap3A_444 = arith.constant 432 : index
    %swap3A_445 = tpu.vector_load %arg6[%swap3A_444] {strides = array<i32>} : memref<512xi32, #tpu.memory_space<vmem>>, vector<16xi32>,
    %swap3A_446 = vector.shape_cast %swap3A_445 : vector<16xi32> to vector<16xi32>
    %swap3A_447 = vector.shape_cast %add3A_443 : vector<16xi32> to vector<16xi32>
    tpu.vector_store %arg6[%swap3A_444], %swap3A_447 {strides = array<i32>} : memref<512xi32, #tpu.memory_space<vmem>>, vector<16xi32>,
    %iota3A_448 = tpu.iota {dimensions = array<i32: 0>} : vector<16xi32>
    %add3A_449 = arith.constant 448 : i32
    %add3A_450 = arith.addi %mul3A_2, %add3A_449 : i32
    %add3A_451 = vector.broadcast %add3A_450 : i32 to vector<16xi32>
    %add3A_452 = arith.addi %iota3A_448, %add3A_451 : vector<16xi32>
    %mul3A_453 = arith.constant 1000 : i32
    %mul3A_454 = vector.broadcast %mul3A_453 : i32 to vector<16xi32>
    %mul3A_455 = arith.muli %add3A_452, %mul3A_454 : vector<16xi32>
    %get3A_456 = arith.constant 448 : index
    %get3A_457 = tpu.vector_load %arg5[%get3A_456] {strides = array<i32>} : memref<512xi32, #tpu.memory_space<vmem>>, vector<16xi32>,
    %get3A_458 = vector.shape_cast %get3A_457 : vector<16xi32> to vector<16xi32>
    %add3A_459 = arith.addi %mul3A_455, %get3A_458 : vector<16xi32>
    %swap3A_460 = arith.constant 448 : index
    %swap3A_461 = tpu.vector_load %arg6[%swap3A_460] {strides = array<i32>} : memref<512xi32, #tpu.memory_space<vmem>>, vector<16xi32>,
    %swap3A_462 = vector.shape_cast %swap3A_461 : vector<16xi32> to vector<16xi32>
    %swap3A_463 = vector.shape_cast %add3A_459 : vector<16xi32> to vector<16xi32>
    tpu.vector_store %arg6[%swap3A_460], %swap3A_463 {strides = array<i32>} : memref<512xi32, #tpu.memory_space<vmem>>, vector<16xi32>,
    %iota3A_464 = tpu.iota {dimensions = array<i32: 0>} : vector<16xi32>
    %add3A_465 = arith.constant 464 : i32
    %add3A_466 = arith.addi %mul3A_2, %add3A_465 : i32
    %add3A_467 = vector.broadcast %add3A_466 : i32 to vector<16xi32>
    %add3A_468 = arith.addi %iota3A_464, %add3A_467 : vector<16xi32>
    %mul3A_469 = arith.constant 1000 : i32
    %mul3A_470 = vector.broadcast %mul3A_469 : i32 to vector<16xi32>
    %mul3A_471 = arith.muli %add3A_468, %mul3A_470 : vector<16xi32>
    %get3A_472 = arith.constant 464 : index
    %get3A_473 = tpu.vector_load %arg5[%get3A_472] {strides = array<i32>} : memref<512xi32, #tpu.memory_space<vmem>>, vector<16xi32>,
    %get3A_474 = vector.shape_cast %get3A_473 : vector<16xi32> to vector<16xi32>
    %add3A_475 = arith.addi %mul3A_471, %get3A_474 : vector<16xi32>
    %swap3A_476 = arith.constant 464 : index
    %swap3A_477 = tpu.vector_load %arg6[%swap3A_476] {strides = array<i32>} : memref<512xi32, #tpu.memory_space<vmem>>, vector<16xi32>,
    %swap3A_478 = vector.shape_cast %swap3A_477 : vector<16xi32> to vector<16xi32>
    %swap3A_479 = vector.shape_cast %add3A_475 : vector<16xi32> to vector<16xi32>
    tpu.vector_store %arg6[%swap3A_476], %swap3A_479 {strides = array<i32>} : memref<512xi32, #tpu.memory_space<vmem>>, vector<16xi32>,
    %iota3A_480 = tpu.iota {dimensions = array<i32: 0>} : vector<16xi32>
    %add3A_481 = arith.constant 480 : i32
    %add3A_482 = arith.addi %mul3A_2, %add3A_481 : i32
    %add3A_483 = vector.broadcast %add3A_482 : i32 to vector<16xi32>
    %add3A_484 = arith.addi %iota3A_480, %add3A_483 : vector<16xi32>
    %mul3A_485 = arith.constant 1000 : i32
    %mul3A_486 = vector.broadcast %mul3A_485 : i32 to vector<16xi32>
    %mul3A_487 = arith.muli %add3A_484, %mul3A_486 : vector<16xi32>
    %get3A_488 = arith.constant 480 : index
    %get3A_489 = tpu.vector_load %arg5[%get3A_488] {strides = array<i32>} : memref<512xi32, #tpu.memory_space<vmem>>, vector<16xi32>,
    %get3A_490 = vector.shape_cast %get3A_489 : vector<16xi32> to vector<16xi32>
    %add3A_491 = arith.addi %mul3A_487, %get3A_490 : vector<16xi32>
    %swap3A_492 = arith.constant 480 : index
    %swap3A_493 = tpu.vector_load %arg6[%swap3A_492] {strides = array<i32>} : memref<512xi32, #tpu.memory_space<vmem>>, vector<16xi32>,
    %swap3A_494 = vector.shape_cast %swap3A_493 : vector<16xi32> to vector<16xi32>
    %swap3A_495 = vector.shape_cast %add3A_491 : vector<16xi32> to vector<16xi32>
    tpu.vector_store %arg6[%swap3A_492], %swap3A_495 {strides = array<i32>} : memref<512xi32, #tpu.memory_space<vmem>>, vector<16xi32>,
    %iota3A_496 = tpu.iota {dimensions = array<i32: 0>} : vector<16xi32>
    %add3A_497 = arith.constant 496 : i32
    %add3A_498 = arith.addi %mul3A_2, %add3A_497 : i32
    %add3A_499 = vector.broadcast %add3A_498 : i32 to vector<16xi32>
    %add3A_500 = arith.addi %iota3A_496, %add3A_499 : vector<16xi32>
    %mul3A_501 = arith.constant 1000 : i32
    %mul3A_502 = vector.broadcast %mul3A_501 : i32 to vector<16xi32>
    %mul3A_503 = arith.muli %add3A_500, %mul3A_502 : vector<16xi32>
    %get3A_504 = arith.constant 496 : index
    %get3A_505 = tpu.vector_load %arg5[%get3A_504] {strides = array<i32>} : memref<512xi32, #tpu.memory_space<vmem>>, vector<16xi32>,
    %get3A_506 = vector.shape_cast %get3A_505 : vector<16xi32> to vector<16xi32>
    %add3A_507 = arith.addi %mul3A_503, %get3A_506 : vector<16xi32>
    %swap3A_508 = arith.constant 496 : index
    %swap3A_509 = tpu.vector_load %arg6[%swap3A_508] {strides = array<i32>} : memref<512xi32, #tpu.memory_space<vmem>>, vector<16xi32>,
    %swap3A_510 = vector.shape_cast %swap3A_509 : vector<16xi32> to vector<16xi32>
    %swap3A_511 = vector.shape_cast %add3A_507 : vector<16xi32> to vector<16xi32>
    tpu.vector_store %arg6[%swap3A_508], %swap3A_511 {strides = array<i32>} : memref<512xi32, #tpu.memory_space<vmem>>, vector<16xi32>,
    %dma_start3A = arith.constant 0 : i32
    %dma_start3A_512 = tpu.memref_slice %arg7[%dma_start3A] : memref<512xf32, #tpu.memory_space<vmem>> -> memref<128xf32, #tpu.memory_space<vmem>>
    %dma_start3A_513 = arith.constant 0 : i32
    %dma_start3A_514 = tpu.memref_slice %arg6[%dma_start3A_513] : memref<512xi32, #tpu.memory_space<vmem>> -> memref<128xi32, #tpu.memory_space<vmem>>
    %dma_start3A_515 = arith.constant 0 : i32
    %dma_start3A_516 = tpu.memref_slice %arg2[%dma_start3A_515] : memref<16384000xf32, #tpu.memory_space<hbm>> -> memref<16384000xf32, #tpu.memory_space<hbm>>
    tpu.enqueue_indirect_dma source(%dma_start3A_516 : memref<16384000xf32, #tpu.memory_space<hbm>>) target(%dma_start3A_512 : memref<128xf32, #tpu.memory_space<vmem>>) offsets(%dma_start3A_514 : memref<128xi32, #tpu.memory_space<vmem>>) semaphore(%arg8 : memref<!tpu.dma_semaphore, #tpu.memory_space<semaphore_mem>>)
    %dma_wait3A = arith.constant 0 : i32
    %dma_wait3A_517 = tpu.memref_slice %arg7[%dma_wait3A] : memref<512xf32, #tpu.memory_space<vmem>> -> memref<128xf32, #tpu.memory_space<vmem>>
    %dma_wait3A_518 = arith.constant 0 : i32
    %dma_wait3A_519 = tpu.memref_slice %arg6[%dma_wait3A_518] : memref<512xi32, #tpu.memory_space<vmem>> -> memref<128xi32, #tpu.memory_space<vmem>>
    %dma_wait3A_520 = arith.constant 0 : i32
    %dma_wait3A_521 = tpu.memref_slice %arg2[%dma_wait3A_520] : memref<16384000xf32, #tpu.memory_space<hbm>> -> memref<16384000xf32, #tpu.memory_space<hbm>>
    tpu.wait_indirect_dma semaphore(%arg8 : memref<!tpu.dma_semaphore, #tpu.memory_space<semaphore_mem>>) src(%dma_wait3A_521 : memref<16384000xf32, #tpu.memory_space<hbm>>) dst(%dma_wait3A_517 : memref<128xf32, #tpu.memory_space<vmem>>)
    %dma_start3A_522 = arith.constant 128 : i32
    %dma_start3A_523 = tpu.memref_slice %arg7[%dma_start3A_522] : memref<512xf32, #tpu.memory_space<vmem>> -> memref<128xf32, #tpu.memory_space<vmem>>
    %dma_start3A_524 = arith.constant 128 : i32
    %dma_start3A_525 = tpu.memref_slice %arg6[%dma_start3A_524] : memref<512xi32, #tpu.memory_space<vmem>> -> memref<128xi32, #tpu.memory_space<vmem>>
    %dma_start3A_526 = arith.constant 0 : i32
    %dma_start3A_527 = tpu.memref_slice %arg2[%dma_start3A_526] : memref<16384000xf32, #tpu.memory_space<hbm>> -> memref<16384000xf32, #tpu.memory_space<hbm>>
    tpu.enqueue_indirect_dma source(%dma_start3A_527 : memref<16384000xf32, #tpu.memory_space<hbm>>) target(%dma_start3A_523 : memref<128xf32, #tpu.memory_space<vmem>>) offsets(%dma_start3A_525 : memref<128xi32, #tpu.memory_space<vmem>>) semaphore(%arg8 : memref<!tpu.dma_semaphore, #tpu.memory_space<semaphore_mem>>)
    %dma_wait3A_528 = arith.constant 128 : i32
    %dma_wait3A_529 = tpu.memref_slice %arg7[%dma_wait3A_528] : memref<512xf32, #tpu.memory_space<vmem>> -> memref<128xf32, #tpu.memory_space<vmem>>
    %dma_wait3A_530 = arith.constant 128 : i32
    %dma_wait3A_531 = tpu.memref_slice %arg6[%dma_wait3A_530] : memref<512xi32, #tpu.memory_space<vmem>> -> memref<128xi32, #tpu.memory_space<vmem>>
    %dma_wait3A_532 = arith.constant 0 : i32
    %dma_wait3A_533 = tpu.memref_slice %arg2[%dma_wait3A_532] : memref<16384000xf32, #tpu.memory_space<hbm>> -> memref<16384000xf32, #tpu.memory_space<hbm>>
    tpu.wait_indirect_dma semaphore(%arg8 : memref<!tpu.dma_semaphore, #tpu.memory_space<semaphore_mem>>) src(%dma_wait3A_533 : memref<16384000xf32, #tpu.memory_space<hbm>>) dst(%dma_wait3A_529 : memref<128xf32, #tpu.memory_space<vmem>>)
    %dma_start3A_534 = arith.constant 256 : i32
    %dma_start3A_535 = tpu.memref_slice %arg7[%dma_start3A_534] : memref<512xf32, #tpu.memory_space<vmem>> -> memref<128xf32, #tpu.memory_space<vmem>>
    %dma_start3A_536 = arith.constant 256 : i32
    %dma_start3A_537 = tpu.memref_slice %arg6[%dma_start3A_536] : memref<512xi32, #tpu.memory_space<vmem>> -> memref<128xi32, #tpu.memory_space<vmem>>
    %dma_start3A_538 = arith.constant 0 : i32
    %dma_start3A_539 = tpu.memref_slice %arg2[%dma_start3A_538] : memref<16384000xf32, #tpu.memory_space<hbm>> -> memref<16384000xf32, #tpu.memory_space<hbm>>
    tpu.enqueue_indirect_dma source(%dma_start3A_539 : memref<16384000xf32, #tpu.memory_space<hbm>>) target(%dma_start3A_535 : memref<128xf32, #tpu.memory_space<vmem>>) offsets(%dma_start3A_537 : memref<128xi32, #tpu.memory_space<vmem>>) semaphore(%arg8 : memref<!tpu.dma_semaphore, #tpu.memory_space<semaphore_mem>>)
    %dma_wait3A_540 = arith.constant 256 : i32
    %dma_wait3A_541 = tpu.memref_slice %arg7[%dma_wait3A_540] : memref<512xf32, #tpu.memory_space<vmem>> -> memref<128xf32, #tpu.memory_space<vmem>>
    %dma_wait3A_542 = arith.constant 256 : i32
    %dma_wait3A_543 = tpu.memref_slice %arg6[%dma_wait3A_542] : memref<512xi32, #tpu.memory_space<vmem>> -> memref<128xi32, #tpu.memory_space<vmem>>
    %dma_wait3A_544 = arith.constant 0 : i32
    %dma_wait3A_545 = tpu.memref_slice %arg2[%dma_wait3A_544] : memref<16384000xf32, #tpu.memory_space<hbm>> -> memref<16384000xf32, #tpu.memory_space<hbm>>
    tpu.wait_indirect_dma semaphore(%arg8 : memref<!tpu.dma_semaphore, #tpu.memory_space<semaphore_mem>>) src(%dma_wait3A_545 : memref<16384000xf32, #tpu.memory_space<hbm>>) dst(%dma_wait3A_541 : memref<128xf32, #tpu.memory_space<vmem>>)
    %dma_start3A_546 = arith.constant 384 : i32
    %dma_start3A_547 = tpu.memref_slice %arg7[%dma_start3A_546] : memref<512xf32, #tpu.memory_space<vmem>> -> memref<128xf32, #tpu.memory_space<vmem>>
    %dma_start3A_548 = arith.constant 384 : i32
    %dma_start3A_549 = tpu.memref_slice %arg6[%dma_start3A_548] : memref<512xi32, #tpu.memory_space<vmem>> -> memref<128xi32, #tpu.memory_space<vmem>>
    %dma_start3A_550 = arith.constant 0 : i32
    %dma_start3A_551 = tpu.memref_slice %arg2[%dma_start3A_550] : memref<16384000xf32, #tpu.memory_space<hbm>> -> memref<16384000xf32, #tpu.memory_space<hbm>>
    tpu.enqueue_indirect_dma source(%dma_start3A_551 : memref<16384000xf32, #tpu.memory_space<hbm>>) target(%dma_start3A_547 : memref<128xf32, #tpu.memory_space<vmem>>) offsets(%dma_start3A_549 : memref<128xi32, #tpu.memory_space<vmem>>) semaphore(%arg8 : memref<!tpu.dma_semaphore, #tpu.memory_space<semaphore_mem>>)
    %dma_wait3A_552 = arith.constant 384 : i32
    %dma_wait3A_553 = tpu.memref_slice %arg7[%dma_wait3A_552] : memref<512xf32, #tpu.memory_space<vmem>> -> memref<128xf32, #tpu.memory_space<vmem>>
    %dma_wait3A_554 = arith.constant 384 : i32
    %dma_wait3A_555 = tpu.memref_slice %arg6[%dma_wait3A_554] : memref<512xi32, #tpu.memory_space<vmem>> -> memref<128xi32, #tpu.memory_space<vmem>>
    %dma_wait3A_556 = arith.constant 0 : i32
    %dma_wait3A_557 = tpu.memref_slice %arg2[%dma_wait3A_556] : memref<16384000xf32, #tpu.memory_space<hbm>> -> memref<16384000xf32, #tpu.memory_space<hbm>>
    tpu.wait_indirect_dma semaphore(%arg8 : memref<!tpu.dma_semaphore, #tpu.memory_space<semaphore_mem>>) src(%dma_wait3A_557 : memref<16384000xf32, #tpu.memory_space<hbm>>) dst(%dma_wait3A_553 : memref<128xf32, #tpu.memory_space<vmem>>)
    "tpu.region"() ({
      %run_scoped3A = tpu.sem_alloc : memref<!tpu.dma_semaphore, #tpu.memory_space<semaphore_mem>>
      %dma_start3A_558 = tpu.memref_slice %arg4[%mul3A_2] : memref<16384xf32, #tpu.memory_space<hbm>> -> memref<512xf32, #tpu.memory_space<hbm>>
      %dma_start3A_559 = tpu.memref_slice %arg4[%mul3A_2] : memref<16384xf32, #tpu.memory_space<hbm>> -> memref<512xf32, #tpu.memory_space<hbm>>
      tpu.enqueue_dma source(%arg7 : memref<512xf32, #tpu.memory_space<vmem>>) target(%dma_start3A_559 : memref<512xf32, #tpu.memory_space<hbm>>) target_semaphore(%run_scoped3A : memref<!tpu.dma_semaphore, #tpu.memory_space<semaphore_mem>>)
      %dma_wait3A_560 = tpu.memref_slice %arg4[%mul3A_2] : memref<16384xf32, #tpu.memory_space<hbm>> -> memref<512xf32, #tpu.memory_space<hbm>>
      %dma_wait3A_561 = tpu.memref_slice %arg4[%mul3A_2] : memref<16384xf32, #tpu.memory_space<hbm>> -> memref<512xf32, #tpu.memory_space<hbm>>
      tpu.wait_dma2 semaphore(%run_scoped3A : memref<!tpu.dma_semaphore, #tpu.memory_space<semaphore_mem>>) src(%arg7 : memref<512xf32, #tpu.memory_space<vmem>>) dst(%dma_wait3A_561 : memref<512xf32, #tpu.memory_space<hbm>>)
      tpu.yield
    }) : () -> ()
    return
  }
}

</mosaic_0001>

<sc_bundles>
// kernel: kernel.3.cloned.1.call-start
scs
__scs_entry_jumppad:
0x0: {  	(pc) =	sbr.rel $0x88, $3  }
0x1: {  	(tag) =	ssettag $0x0;
	lr =	simm.s32 $0x1  }
0x2: {  	[smem:$0x3F9F] =	sst lr;
	_ =	strace $0xD0000000  }
0x3: {  	_ = 	snop  }
0x4: {  	_ = 	snop  }
0x5: {  	_ = 	snop  }
0x6: {  	_ = 	snop  }
0x7: {  	_ = 	snop  }
__scs_overlays_trampoline_lowered:
0x8: {  	[smem:$0x3FAE] =	sst s0  }
0x9: {  	[smem:$0x3FAF] =	sst s1  }
0xa: {  	[smem:$0x3FB0] =	sst s2  }
0xb: {  	[smem:$0x3FB1] =	sst s3  }
0xc: {  	[smem:$0x3FB2] =	sst s4  }
0xd: {  	[smem:$0x3FB3] =	sst s5  }
0xe: {  	[smem:$0x3FB4] =	sst s6  }
0xf: {  	[smem:$0x3FB5] =	sst s7  }
0x10: {  	[smem:$0x3FB6] =	sst s8  }
0x11: {  	[smem:$0x3FB7] =	sst s9;
	s0 =	simm.s32 @!p0 $0x0  }
0x12: {  	s1 =	sld [smem:$0x3F9D];
	s0 =	simm.s32 @p0 $0x1  }
0x13: {  	[smem:$0x3FB8] =	sst s0;
	s0 =	simm.s32 @!p1 $0x0  }
0x14: {  	s2 =	sld [smem:$0x3F9C];
	s0 =	simm.s32 @p1 $0x1  }
0x15: {  	[smem:$0x3FB9] =	sst s0;
	s0 =	simm.s32 @!p2 $0x0  }
0x16: {  	s3 =	sld [smem:$0x3FDB];
	s0 =	simm.s32 @p2 $0x1  }
0x17: {  	s4 =	simm.s32 $0x1BF5;
	[smem:$0x3FBB] =	sst s0  }
0x18: {  	s0 =	sld [smem:$0x3F9E];
	_ =	swait.ge [sflag:s4], $0x0  }
0x19: {  	s7 =	sld [smem:$0x3F9F]  }
0x1a: {  	s8 =	sadd.s32 $0xFFFFE003, lr  }
0x1b: {  	s9 =	sadd.s32 $0xFFFFFEF7, lr;
	s5 =	simm.s32 $0xFFFFFFFF;
	p2 =	slt.u32 s8, $0xFFFFF086  }
0x1c: {  	p1 =	slt.u32 s9, $0xF7A;
	s5 =	simm.s32 @!p2 $0x0  }
0x1d: {  	s5 =	simm.s32 @p1 $0x1;
	p0 =	seq.s32 s7, s2  }
0x1e: {  	s7 =	smul.u32 @!p0 $0xF7A, s2;
	p2 =	seq.s32 @!p0 s5, $0x0  }
0x1f: {  	s9 =	smul.u32 $0xF7A, s1;
	s8 =	simm.s32 @!p0 $0x1BF5;
	p2 =	por !p2, p0  }
0x20: {  	[sflag:s8] =	ssyncset.s32 @!p0 $0xFFFFF086;
	s6 =	sadd.s32 @!p0 s3, s7;
	s7 =	simm.s32 @!p0 $0x108  }
0x21: {  	s3 =	sadd.s32 s3, s9;
	s6 =	sadd.s32 @!p0 $0x88, s6;
	s7 =	simm.s32 @p2 $0x1082  }
0x22: {  	[simem:s7], [sflag:s8] =	dma.local @!p0 [hbm:s6], $0xF7A  }
0x23: {  	s9 =	sor.u32 $0xD0000000, s2;
	s6 =	simm.s32 $0x108;
	_ =	swait.ge @!p0 [sflag:s8], $0x0  }
0x24: {  	s3 =	sadd.s32 $0x88, s3;
	s6 =	simm.s32 @!p1 $0x1082;
	[sflag:s4] =	ssyncset.s32 $0xFFFFF086  }
0x25: {  	[simem:s6], [sflag:s4] =	dma.local [hbm:s3], $0xF7A  }
0x26: {  	[smem:$0x3F9F] =	sst s1;
	(tag) =	ssettag s2;
	_ =	strace s9  }
0x27: {  	s1 =	sld [smem:$0x3FAF]  }
0x28: {  	s2 =	sld [smem:$0x3FB0]  }
0x29: {  	s4 =	sld [smem:$0x3FB2]  }
0x2a: {  	p0 =	seq.s32 s5, $0x0;
	s5 =	sld [smem:$0x3FB3]  }
0x2b: {  	s6 =	sld [smem:$0x3FB4]  }
0x2c: {  	s7 =	sld [smem:$0x3FB5]  }
0x2d: {  	s3 =	simm.s32 $0x108;
	s8 =	sld [smem:$0x3FB6]  }
0x2e: {  	s3 =	simm.s32 @!p0 $0x1082;
	s9 =	sld [smem:$0x3FB7]  }
0x2f: {  	lr =	sadd.s32 s0, s3;
	s0 =	sld [smem:$0x3FAE]  }
0x30: {  	s3 =	sld [smem:$0x3FB1]  }
0x31: {  	[smem:$0x3FBA] =	sst s10  }
0x32: {  	s10 =	sld [smem:$0x3FB8];
	_ =	sdelay $0x3  }
0x33: {  	p0 =	seq.s32 s10, $0x1;
	s10 =	sld [smem:$0x3FBA];
	_ =	sdelay $0x3  }
0x34: {  	[smem:$0x3FBA] =	sst s10  }
0x35: {  	s10 =	sld [smem:$0x3FB9];
	_ =	sdelay $0x3  }
0x36: {  	p1 =	seq.s32 s10, $0x1;
	s10 =	sld [smem:$0x3FBA];
	_ =	sdelay $0x3  }
0x37: {  	[smem:$0x3FBA] =	sst s10  }
0x38: {  	s10 =	sld [smem:$0x3FBB]  }
0x39: {  	_ = 	snop;
	(pc) =	sbr.ind lr, $3  }
0x3a: {  	_ = 	snop  }
0x3b: {  	_ = 	snop  }
0x3c: {  	p2 =	seq.s32 s10, $0x1;
	s10 =	sld [smem:$0x3FBA]  }
0x3d: {  	_ =	shalt  }
0x3e: {  	_ =	shalt  }
0x3f: {  	_ =	shalt  }
0x40: {  	_ =	shalt  }
0x41: {  	_ =	shalt  }
0x42: {  	_ =	shalt  }
0x43: {  	_ =	shalt  }
0x44: {  	_ =	shalt  }
0x45: {  	_ =	shalt  }
0x46: {  	_ =	shalt  }
0x47: {  	_ =	shalt  }
0x48: {  	_ =	shalt  }
0x49: {  	_ =	shalt  }
0x4a: {  	_ =	shalt  }
0x4b: {  	_ =	shalt  }
0x4c: {  	_ =	shalt  }
0x4d: {  	_ =	shalt  }
0x4e: {  	_ =	shalt  }
0x4f: {  	_ =	shalt  }
0x50: {  	_ =	shalt  }
0x51: {  	_ =	shalt  }
0x52: {  	_ =	shalt  }
0x53: {  	_ =	shalt  }
0x54: {  	_ =	shalt  }
0x55: {  	_ =	shalt  }
0x56: {  	_ =	shalt  }
0x57: {  	_ =	shalt  }
0x58: {  	_ =	shalt  }
0x59: {  	_ =	shalt  }
0x5a: {  	_ =	shalt  }
0x5b: {  	_ =	shalt  }
0x5c: {  	_ =	shalt  }
0x5d: {  	_ =	shalt  }
0x5e: {  	_ =	shalt  }
0x5f: {  	_ =	shalt  }
0x60: {  	_ =	shalt  }
0x61: {  	_ =	shalt  }
0x62: {  	_ =	shalt  }
0x63: {  	_ =	shalt  }
0x64: {  	_ =	shalt  }
0x65: {  	_ =	shalt  }
0x66: {  	_ =	shalt  }
0x67: {  	_ =	shalt  }
0x68: {  	_ =	shalt  }
0x69: {  	_ =	shalt  }
0x6a: {  	_ =	shalt  }
0x6b: {  	_ =	shalt  }
0x6c: {  	_ =	shalt  }
0x6d: {  	_ =	shalt  }
0x6e: {  	_ =	shalt  }
0x6f: {  	_ =	shalt  }
0x70: {  	_ =	shalt  }
0x71: {  	_ =	shalt  }
0x72: {  	_ =	shalt  }
0x73: {  	_ =	shalt  }
0x74: {  	_ =	shalt  }
0x75: {  	_ =	shalt  }
0x76: {  	_ =	shalt  }
0x77: {  	_ =	shalt  }
0x78: {  	_ =	shalt  }
0x79: {  	_ =	shalt  }
0x7a: {  	_ =	shalt  }
0x7b: {  	_ =	shalt  }
0x7c: {  	_ =	shalt  }
0x7d: {  	_ =	shalt  }
0x7e: {  	_ =	shalt  }
0x7f: {  	_ =	shalt  }
0x80: {  	_ =	shalt  }
0x81: {  	_ =	shalt  }
0x82: {  	_ =	shalt  }
0x83: {  	_ =	shalt  }
0x84: {  	_ =	shalt  }
0x85: {  	_ =	shalt  }
0x86: {  	_ =	shalt  }
0x87: {  	_ =	shalt  }
.Lfunc_end0:
.L_simem_size_0:
called_computation_lowered:
.L_overlay_start_0:
0x88: {  	s2 =	sld [smem:$0x3FD9]  }
0x89: {  	s3 =	sld [smem:$0x3FFE];
	_ =	sdelay $0x1  }
0x8a: {  	s1 =	srdreg.scid  }
0x8b: {  	s0 =	sand.u32 $0x1, s1  }
0x8c: {  	s17 =	sshll.u32 s0, $0xA;
	s2 =	sadd.s32 s3, s2  }
0x8d: {  	s2 =	sadd.s32 s2, s17  }
0x8e: {  	[smem:$0x3FC6] =	sst s2  }
0x8f: {  	_ = 	snop  }
0x90: {  	s2 =	sld [smem:$0x3FC8];
	(tm) =	ssettm $0x1  }
0x91: {  	s18 =	sld [smem:$0x3FFB];
	_ =	sdelay $0x3  }
0x92: {  	_ =	strace s18  }
0x93: {  	s3 =	sld [smem:$0x3FFC];
	_ =	sdelay $0x3  }
0x94: {  	_ =	strace s3  }
0x95: {  	s3 =	sld [smem:$0x3FFD];
	_ =	sdelay $0x3  }
0x96: {  	_ =	strace s3  }
0x97: {  	_ =	strace $0x8FFFFFFF  }
0x98: {  	s19 =	sld [smem:$0x3FDB];
	_ =	sdelay $0x1  }
0x99: {  	s4 =	simm.s32 $_scs_section_size  }
0x9a: {  	s5 =	simm.s32 $_size__tile_overlayer_lowered;
	s6 =	simm.s32 $_tile_overlayer_lowered  }
0x9b: {  	s22 =	simm.s32 $0x1BFF;
	s21 =	sshll.u32 s6, $0x1;
	s3 =	sadd.s32 s4, s19  }
0x9c: {  	s7 =	simm.s32 $0x0;
	s20 =	sshll.u32 s5, $0x1;
	s5 =	sadd.s32 s21, s3  }
0x9d: {  	[timem:s7], [sflag:s22] =	dma.local [hbm:s5], s20  }
0x9e: {  	_ =	swait.ge [sflag:s22], s20  }
0x9f: {  	s4 =	ssub.s32 $0x0, s20;
	[sflag:s22] =	ssyncset.done $0x0  }
0xa0: {  	[sflag:s22] =	ssyncadd.s32 s4;
	_ =	sdelay $0x1  }
0xa1: {  	s23 =	simm.s32 $0x1B8B  }
0xa2: {  	_ =	swait.ge [sflag:s23], $0x1  }
0xa3: {  	[sflag:s23] =	ssyncset.done $0x0  }
0xa4: {  	s25 =	simm.s32 $0x1B8E;
	s24 =	sld [smem:$0x3FFE];
	[sflag:s23] =	ssyncadd.s32 $0xFFFFFFFF  }
0xa5: {  	s26 =	simm.s32 $execute0_lowered;
	[smem:$0x3FD2] =	sst s25  }
0xa6: {  	s5 =	sshll.u32 s26, $0x1;
	_ =	strace $0x80000046;
	[dreg:$0x1] =	wrdreg $0xFFFFFFFF  }
0xa7: {  	s28 =	simm.s32 $_size_execute0_lowered;
	s3 =	sadd.s32 s3, s5;
	[dreg:$0x0] =	wrdreg $0x0  }
0xa8: {  	s5 =	sshll.u32 s28, $0x1;
	[dreg:$0x2] =	wrdreg s3  }
0xa9: {  	[dreg:$0x3] =	wrdreg s5  }
0xaa: {  	[dreg:$0x4] =	wrdreg $0xC0  }
0xab: {  	_ =	task [dreg:s7], $0x5FFFF  }
0xac: {  	[dreg:$0x1] =	wrdreg $0xFFFFFFFF  }
0xad: {  	[dreg:$0x0] =	wrdreg $0x60  }
0xae: {  	[dreg:$0x2] =	wrdreg s24  }
0xaf: {  	[dreg:$0x3] =	wrdreg s2  }
0xb0: {  	[dreg:$0x4] =	wrdreg $0x9  }
0xb1: {  	_ =	task.clear_ibuf [dreg:s7], $0x5FFFF;
	_ =	strace $0x90000046  }
0xb2: {  	s29 =	simm.s32 $0x9;
	_ =	strace $0x80000048  }
0xb3: {  	_ =	swait.ge [sflag:s29], $0x1  }
0xb4: {  	[sflag:s29] =	ssyncadd.s32 $0xFFFFFFFF  }
0xb5: {  	_ =	strace $0x90000048  }
0xb6: {  	_ =	sfence  }
0xb7: {  	s30 =	sld [smem:$0x0];
	_ =	sdelay $0x2  }
0xb8: {  	s31 =	sshll.u32 s1, $0xD;
	s1 =	sshrl.u32 s1, $0x2  }
0xb9: {  	s3 =	sand.u32 $0x4000, s31;
	s1 =	sadd.s32 s1, s30  }
0xba: {  	s0 =	sor.u32 s3, s0;
	s1 =	sshll.u32 s1, $0x11  }
0xbb: {  	s0 =	sor.u32 s1, s0  }
0xbc: {  	s0 =	sadd.s32 $0x8F2B, s0  }
0xbd: {  	[sflag:s0] =	ssyncadd.remote.s32 $0x1  }
0xbe: {  	_ =	sfence.sel $0xFFFF  }
0xbf: {  	[dreg:$0x0] =	wrdreg $0xFFFFFFFF;
	(pc) =	sbr.abs _section_cstart, $3  }
0xc0: {  	[dreg:$0x1] =	wrdreg $0xFFFFFFFF  }
0xc1: {  	_ =	task.clear_ibuf [dreg:s7], $0x2FFFF;
	_ =	strace $0x9FFFFFFF  }
0xc2: {  	(tm) =	ssettm $0x7FFFFFFF  }
0xc3: {  	_ =	shalt  }
tec
execute0_lowered:
.L_overlay_start_1:
0x0: {  	(tag) =	ssettag $0x1  }
0x1: {  	s1 =	srdreg.scid  }
0x2: {  	s0 =	stileid.u32;
	s3 =	sand.u32 $0x1, s1  }
0x3: {  	s29 =	sshll.u32 s0, $0xA;
	s2 =	sshll.u32 s3, $0x9  }
0x4: {  	s4 =	sor.u32 s2, s29  }
0x5: {  	v3 =	vlaneseq.u32;
	s1 =	sor.u32 $0x10, s4  }
0x6: {  	v28 =	vmul.u32 $0x3E8, v3;
	v0 =	vmov s4;
	s30 =	sor.u32 $0x20, s4;
	s31 =	sor.u32 $0x30, s4;
	v1 =	vmov s1  }
0x7: {  	s2 =	sor.u32 $0x40, s4;
	s5 =	sor.u32 $0x50, s4;
	s8 =	sor.u32 $0x80, s4;
	v0 =	vmul.u32 $0x3E8, v0;
	v2 =	vmov s30;
	v3 =	vmov s31  }
0x8: {  	s11 =	sor.u32 $0xB0, s4;
	s14 =	sor.u32 $0xE0, s4;
	s16 =	sor.u32 $0x100, s4;
	v4 =	vmov s2;
	v5 =	vmov s5;
	v8 =	vmov s8  }
0x9: {  	s17 =	sor.u32 $0x110, s4;
	s19 =	sor.u32 $0x130, s4;
	s20 =	sor.u32 $0x140, s4;
	v12 =	vmov s11;
	v15 =	vmov s14;
	v16 =	vmov s16  }
0xa: {  	s22 =	sor.u32 $0x160, s4;
	s23 =	sor.u32 $0x170, s4;
	s24 =	sor.u32 $0x1A0, s4;
	v18 =	vmov s17;
	v19 =	vmov s19;
	v21 =	vmov s20  }
0xb: {  	s29 =	sor.u32 $0x1D0, s4;
	v22 =	vmov s22;
	v24 =	vmov s23;
	v29 =	vmov s24  }
0xc: {  	v30 =	vmov s29;
	v1 =	vmul.u32 $0x3E8, v1;
	v2 =	vmul.u32 $0x3E8, v2  }
0xd: {  	v3 =	vmul.u32 $0x3E8, v3;
	v4 =	vmul.u32 $0x3E8, v4;
	v16 =	vmul.u32 $0x3E8, v16  }
0xe: {  	v18 =	vmul.u32 $0x3E8, v18;
	v0 =	vbroadcast v0, $0x0;
	v1 =	vbroadcast v1, $0x0  }
0xf: {  	v20 =	vmul.u32 $0x3E8, v19;
	v21 =	vmul.u32 $0x3E8, v21;
	v2 =	vbroadcast v2, $0x0  }
0x10: {  	v10 =	vadd.s32 v28, v0;
	v0 =	vadd.s32 v28, v1;
	v1 =	vmul.u32 $0x3E8, v5  }
0x11: {  	s6 =	sor.u32 $0x60, s4;
	s7 =	sor.u32 $0x70, s4;
	v13 =	vadd.s32 v28, v2;
	v2 =	vbroadcast v3, $0x0;
	v3 =	vbroadcast v4, $0x0  }
0x12: {  	v5 =	vmov s7;
	v4 =	vbroadcast v1, $0x0;
	v1 =	vmov s6  }
0x13: {  	v22 =	vmul.u32 $0x3E8, v22;
	v7 =	vmul.u32 $0x3E8, v5;
	v6 =	vmul.u32 $0x3E8, v1  }
0x14: {  	v5 =	vadd.s32 v28, v3;
	v1 =	vadd.s32 v28, v2;
	v2 =	vmul.u32 $0x3E8, v8  }
0x15: {  	s9 =	sor.u32 $0x90, s4;
	s10 =	sor.u32 $0xA0, s4;
	v3 =	vadd.s32 v28, v4;
	v4 =	vbroadcast v6, $0x0;
	v6 =	vbroadcast v7, $0x0  }
0x16: {  	v8 =	vbroadcast v2, $0x0;
	v2 =	vmov s9;
	v7 =	vmov s10  }
0x17: {  	v9 =	vmul.u32 $0x3E8, v2;
	v11 =	vmul.u32 $0x3E8, v7;
	v7 =	vadd.s32 v28, v4  }
0x18: {  	s13 =	sor.u32 $0xD0, s4;
	v2 =	vadd.s32 v28, v6;
	v6 =	vmul.u32 $0x3E8, v12;
	v4 =	vadd.s32 v28, v8  }
0x19: {  	s12 =	sor.u32 $0xC0, s4;
	v12 =	vmov s13;
	v8 =	vbroadcast v9, $0x0;
	v9 =	vbroadcast v11, $0x0  }
0x1a: {  	v12 =	vmul.u32 $0x3E8, v12;
	v11 =	vbroadcast v6, $0x0;
	v6 =	vmov s12  }
0x1b: {  	v14 =	vmul.u32 $0x3E8, v6;
	v6 =	vadd.s32 v28, v9;
	v9 =	vmul.u32 $0x3E8, v15  }
0x1c: {  	s15 =	sor.u32 $0xF0, s4;
	v24 =	vmul.u32 $0x3E8, v24;
	v12 =	vbroadcast v12, $0x0;
	v15 =	vadd.s32 v28, v11  }
0x1d: {  	s30 =	sor.u32 $0x1E0, s4;
	v11 =	vbroadcast v14, $0x0;
	v14 =	vbroadcast v9, $0x0;
	v9 =	vmov s15  }
0x1e: {  	v30 =	vmul.u32 $0x3E8, v30;
	v31 =	vmov s30;
	v17 =	vmul.u32 $0x3E8, v9  }
0x1f: {  	s18 =	sor.u32 $0x120, s4;
	v16 =	vbroadcast v16, $0x0;
	v9 =	vadd.s32 v28, v12;
	v12 =	vadd.s32 v28, v14  }
0x20: {  	v14 =	vbroadcast v17, $0x0;
	v17 =	vbroadcast v18, $0x0;
	v18 =	vmov s18  }
0x21: {  	s25 =	ssub.s32 $0x2, s3;
	v31 =	vmul.u32 $0x3E8, v31;
	v21 =	vbroadcast v21, $0x0;
	v18 =	vmul.u32 $0x3E8, v18  }
0x22: {  	s3 =	simm.s32 $0x2;
	s21 =	sor.u32 $0x150, s4;
	s5 =	rddreg [dreg:$0x0];
	v19 =	vadd.s32 v28, v14;
	v14 =	vadd.s32 v28, v16;
	v16 =	vadd.s32 v28, v17  }
0x23: {  	s1 =	rddreg [dreg:$0x2];
	s2 =	simm.s32 $0x0;
	s8 =	sor.u32 $0x190, s4;
	v17 =	vbroadcast v18, $0x0;
	v18 =	vbroadcast v20, $0x0;
	v20 =	vmov s21  }
0x24: {  	s26 =	sor.u32 $0x1B0, s4;
	s28 =	sor.u32 $0x1C0, s4;
	[smem:$0x7FF] =	sst s2;
	v25 =	vbroadcast v24, $0x0;
	v24 =	vmov s8;
	v23 =	vmul.u32 $0x3E8, v20  }
0x25: {  	v38 =	vbroadcast v30, $0x0;
	s7 =	sor.u32 $0x180, s4;
	s6 =	rddreg [dreg:$0x1];
	s9 =	sshrl.u32 s4, $0x3;
	v20 =	vadd.s32 v28, v18;
	v18 =	vadd.s32 v28, v21  }
0x26: {  	_ =	strace $0x80000047;
	s4 =	sor.u32 $0x1F0, s4;
	s16 =	sadd.s32 s6, s9;
	v21 =	vbroadcast v23, $0x0;
	v23 =	vbroadcast v22, $0x0;
	v22 =	vmov s7  }
0x27: {  	v27 =	vmul.u32 $0x3E8, v24;
	v33 =	vmov s4;
	[tilespmem:s2], [sflag:$0x2] =	stream.linear.gather [hbm4b:s16+s2], $0x200, $0x38;
	v26 =	vmul.u32 $0x3E8, v22;
	[tilespmem:$0x600] =	vst v63  }
0x28: {  	s10 =	sshrl.u32 s25, $0x1;
	v33 =	vmul.u32 $0x3E8, v33;
	_ =	swait.ge [sflag:s3], $0x200;
	v24 =	vadd.s32 v28, v23;
	v23 =	vmul.u32 $0x3E8, v29  }
0x29: {  	s31 =	ssub.s32 s25, s10;
	[sflag:s3] =	ssyncset.done $0x0;
	v22 =	vadd.s32 v28, v21;
	v21 =	vadd.s32 v28, v25;
	v25 =	vbroadcast v26, $0x0  }
0x2a: {  	s17 =	smax.u32 s31, $0x1;
	[sflag:s3] =	ssyncadd.s32 $0xFFFFFE00;
	v26 =	vbroadcast v27, $0x0;
	v27 =	vbroadcast v23, $0x0;
	v23 =	vmov s26  }
0x2b: {  	v39 =	vbroadcast v31, $0x0;
	p0 =	sne.s32 s17, $0x1;
	v32 =	vld [tilespmem:$0x180];
	v29 =	vmov s28;
	v23 =	vmul.u32 $0x3E8, v23  }
.Ltmp0:
0x2c: {  	s11 =	simm.s32 $0x480;
	v31 =	vadd.s32 v28, v38;
	v33 =	vbroadcast v33, $0x0;
	v34 =	vld [tilespmem:$0x1B0];
	v29 =	vmul.u32 $0x3E8, v29;
	(pc) =	sbr.rel @!p0 .LBB2_2-.Ltmp0, $4  }
0x2d: {  	s14 =	simm.s32 $0x380;
	s8 =	simm.s32 $0x1;
	s4 =	sadd.s32 $0x200000, s5;
	v8 =	vadd.s32 v28, v8;
	v35 =	vld [tilespmem:$0x1A0];
	v11 =	vadd.s32 v28, v11;
	v37 =	vbroadcast v23, $0x0  }
0x2e: {  	s5 =	sadd.s32 s5, s9;
	s9 =	simm.s32 $0x200;
	s6 =	simm.s32 $0x400;
	v36 =	vld [tilespmem:$0x190];
	v17 =	vadd.s32 v28, v17;
	v23 =	vadd.s32 v28, v25;
	v25 =	vbroadcast v29, $0x0  }
0x2f: {  	s10 =	simm.s32 $0x280;
	s13 =	simm.s32 $0x500;
	s17 =	sadd.s32 $0xFFFFFFFF, s17;
	v30 =	vadd.s32 v28, v27;
	v29 =	vadd.s32 v28, v26;
	v27 =	vadd.s32 v28, v37;
	v37 =	vld [tilespmem:$0x160]  }
0x30: {  	s12 =	simm.s32 $0x300;
	s15 =	simm.s32 $0x580;
	s7 =	simm.s32 $0x80;
	v26 =	vadd.s32 v28, v25;
	v25 =	vadd.s32 v28, v39;
	v28 =	vadd.s32 v28, v33;
	v33 =	vld [tilespmem:$0x170]  }
.LBB2_1:
0x31: {  	p0 =	sne.s32 s17, $0x1;
	s17 =	sadd.s32 $0xFFFFFFFF, s17;
	v38 =	vld [tilespmem:$0x20]  }
0x32: {  	v39 =	vld [tilespmem:$0xF0]  }
0x33: {  	v40 =	vld [tilespmem:$0x0]  }
0x34: {  	v37 =	vadd.s32 v37, v24;
	v41 =	vld [tilespmem:$0x1D0]  }
0x35: {  	v36 =	vadd.s32 v36, v29;
	[tilespmem:$0x360] =	vst v37;
	v37 =	vld [tilespmem:$0x1E0]  }
0x36: {  	v35 =	vadd.s32 v35, v30;
	v38 =	vadd.s32 v38, v13;
	[tilespmem:$0x390] =	vst v36;
	v36 =	vld [tilespmem:$0x1F0]  }
0x37: {  	v34 =	vadd.s32 v34, v27;
	[tilespmem:$0x220] =	vst v38;
	v38 =	vadd.s32 v39, v19;
	v39 =	vld [tilespmem:$0x130]  }
0x38: {  	v40 =	vadd.s32 v40, v10;
	[tilespmem:$0x2F0] =	vst v38;
	v38 =	vld [tilespmem:$0x1C0]  }
0x39: {  	v42 =	vld [tilespmem:$0x40];
	[tilespmem:$0x3A0] =	vst v35;
	v35 =	vadd.s32 v41, v31  }
0x3a: {  	v33 =	vadd.s32 v33, v21;
	v41 =	vld [tilespmem:$0x150];
	[tilespmem:$0x3B0] =	vst v34;
	v34 =	vadd.s32 v37, v25  }
0x3b: {  	v32 =	vadd.s32 v32, v23;
	v37 =	vld [tilespmem:$0x140];
	[tilespmem:$0x3D0] =	vst v35;
	v35 =	vadd.s32 v36, v28  }
0x3c: {  	v36 =	vld [tilespmem:$0xB0];
	v39 =	vadd.s32 v39, v20;
	[tilespmem:$0x3F0] =	vst v35  }
0x3d: {  	[tilespmem:$0x200] =	vst v40;
	v35 =	vld [tilespmem:$0x50];
	v38 =	vadd.s32 v38, v26  }
0x3e: {  	v40 =	vadd.s32 v42, v5;
	v42 =	vld [tilespmem:$0x60];
	[tilespmem:$0x3C0] =	vst v38  }
0x3f: {  	v38 =	vld [tilespmem:$0x70];
	[tilespmem:$0x330] =	vst v39;
	v39 =	vadd.s32 v41, v22  }
0x40: {  	v41 =	vld [tilespmem:$0x80];
	v37 =	vadd.s32 v37, v18;
	[tilespmem:$0x350] =	vst v39  }
0x41: {  	v36 =	vadd.s32 v36, v15;
	v39 =	vld [tilespmem:$0x120];
	[tilespmem:$0x340] =	vst v37  }
0x42: {  	v35 =	vadd.s32 v35, v3;
	v37 =	vld [tilespmem:$0x90];
	[tilespmem:$0x2B0] =	vst v36  }
0x43: {  	v36 =	vadd.s32 v42, v7;
	v42 =	vld [tilespmem:$0x110];
	[tilespmem:$0x3E0] =	vst v34  }
0x44: {  	v34 =	vadd.s32 v38, v2;
	v38 =	vld [tilespmem:$0xA0];
	[tilespmem:$0x380] =	vst v32  }
0x45: {  	v32 =	vadd.s32 v41, v4;
	v41 =	vld [tilespmem:$0x100];
	[tilespmem:$0x370] =	vst v33  }
0x46: {  	[tilespmem:$0x240] =	vst v40;
	v33 =	vld [tilespmem:$0xE0];
	v39 =	vadd.s32 v39, v17  }
0x47: {  	v40 =	vld [tilespmem:$0x30];
	v37 =	vadd.s32 v37, v8;
	[tilespmem:$0x320] =	vst v39  }
0x48: {  	[tilespmem:$0x250] =	vst v35;
	v35 =	vld [tilespmem:$0xC0];
	v39 =	vadd.s32 v42, v16  }
0x49: {  	v42 =	vld [tilespmem:$0x10];
	v38 =	vadd.s32 v38, v6;
	[tilespmem:$0x310] =	vst v39  }
0x4a: {  	[tilespmem:$0x260] =	vst v36;
	v36 =	vadd.s32 v41, v14  }
0x4b: {  	v39 =	vld [tilespmem:$0xD0];
	v33 =	vadd.s32 v33, v12;
	[tilespmem:$0x300] =	vst v36  }
0x4c: {  	v36 =	vadd.s32 v40, v1;
	[tilespmem:$0x2E0] =	vst v33  }
0x4d: {  	[tilespmem:$0x280] =	vst v32;
	v32 =	vadd.s32 v35, v11  }
0x4e: {  	v33 =	vadd.s32 v42, v0;
	[tilespmem:$0x290] =	vst v37  }
0x4f: {  	[tilespmem:$0x210] =	vst v33  }
0x50: {  	[tilespmem:$0x2A0] =	vst v38;
	v33 =	vadd.s32 v39, v9  }
0x51: {  	[tilespmem:$0x270] =	vst v34  }
0x52: {  	[tilespmem:$0x2C0] =	vst v32  }
0x53: {  	[tilespmem:$0x230] =	vst v36  }
0x54: {  	[tilespmem:$0x2D0] =	vst v33  }
0x55: {  	[tilespmem:s6], [sflag:$0x1] =	stream.indirect.gather [hbm4b:s4+s7], $0x1, s9, s7, $0xb8;
	[tilespmem:$0x600] =	vst v63  }
0x56: {  	_ =	swait.ge [sflag:s8], $0x80  }
0x57: {  	[sflag:s8] =	ssyncset.done $0x0  }
0x58: {  	[sflag:s8] =	ssyncadd.s32 $0xFFFFFF80  }
0x59: {  	[tilespmem:s11], [sflag:$0x1] =	stream.indirect.gather [hbm4b:s4+s7], $0x1, s10, s7, $0xb8;
	[tilespmem:$0x600] =	vst v63  }
0x5a: {  	_ =	swait.ge [sflag:s8], $0x80  }
0x5b: {  	[sflag:s8] =	ssyncset.done $0x0  }
0x5c: {  	[sflag:s8] =	ssyncadd.s32 $0xFFFFFF80  }
0x5d: {  	[tilespmem:s13], [sflag:$0x1] =	stream.indirect.gather [hbm4b:s4+s7], $0x1, s12, s7, $0xb8;
	[tilespmem:$0x600] =	vst v63  }
0x5e: {  	_ =	swait.ge [sflag:s8], $0x80  }
0x5f: {  	[sflag:s8] =	ssyncset.done $0x0  }
0x60: {  	[sflag:s8] =	ssyncadd.s32 $0xFFFFFF80  }
0x61: {  	[tilespmem:s15], [sflag:$0x1] =	stream.indirect.gather [hbm4b:s4+s7], $0x1, s14, s7, $0xb8;
	[tilespmem:$0x600] =	vst v63  }
0x62: {  	_ =	swait.ge [sflag:s8], $0x80  }
0x63: {  	[sflag:s8] =	ssyncset.done $0x0  }
0x64: {  	[sflag:s8] =	ssyncadd.s32 $0xFFFFFF80  }
0x65: {  	[hbm4b:s5+s2] =	stream.linear.scatter [tilespmem:s6], [sflag:$0x2], $0x200, $0x38;
	[tilespmem:$0x600] =	vst v63  }
0x66: {  	_ =	swait.ge [sflag:s3], $0x200  }
0x67: {  	[sflag:s3] =	ssyncset.done $0x0  }
0x68: {  	[sflag:s3] =	ssyncadd.s32 $0xFFFFFE00  }
0x69: {  	[tilespmem:s2], [sflag:$0x2] =	stream.linear.gather [hbm4b:s16+s2], $0x200, $0x38;
	[tilespmem:$0x600] =	vst v63  }
0x6a: {  	_ =	swait.ge [sflag:s3], $0x200  }
0x6b: {  	[sflag:s3] =	ssyncset.done $0x0  }
0x6c: {  	[sflag:s3] =	ssyncadd.s32 $0xFFFFFE00  }
0x6d: {  	v32 =	vld [tilespmem:$0x180]  }
.Ltmp1:
0x6e: {  	v34 =	vld [tilespmem:$0x1B0];
	(pc) =	sbr.rel @p0 .LBB2_1-.Ltmp1, $4  }
0x6f: {  	v35 =	vld [tilespmem:$0x1A0]  }
0x70: {  	v36 =	vld [tilespmem:$0x190]  }
0x71: {  	v37 =	vld [tilespmem:$0x160]  }
0x72: {  	v33 =	vld [tilespmem:$0x170]  }
.LBB2_2:
0x73: {  	v27 =	vadd.s32 v34, v27  }
0x74: {  	v38 =	vld [tilespmem:$0x20];
	v43 =	vadd.s32 v32, v23;
	[tilespmem:$0x3B0] =	vst v27  }
0x75: {  	v39 =	vld [tilespmem:$0xF0];
	v58 =	vadd.s32 v35, v30;
	[tilespmem:$0x380] =	vst v43  }
0x76: {  	v53 =	vld [tilespmem:$0x1D0];
	v54 =	vadd.s32 v36, v29;
	[tilespmem:$0x3A0] =	vst v58  }
0x77: {  	v55 =	vld [tilespmem:$0x1F0];
	v24 =	vadd.s32 v37, v24;
	[tilespmem:$0x390] =	vst v54  }
0x78: {  	v56 =	vld [tilespmem:$0x0];
	[tilespmem:$0x360] =	vst v24;
	v45 =	vadd.s32 v33, v21  }
0x79: {  	v59 =	vld [tilespmem:$0x1C0];
	v13 =	vadd.s32 v38, v13;
	[tilespmem:$0x370] =	vst v45  }
0x7a: {  	v60 =	vld [tilespmem:$0x130];
	v57 =	vadd.s32 v39, v19;
	[tilespmem:$0x220] =	vst v13  }
0x7b: {  	v62 =	vld [tilespmem:$0x150];
	v61 =	vadd.s32 v53, v31;
	[tilespmem:$0x2F0] =	vst v57  }
0x7c: {  	v63 =	vld [tilespmem:$0x140];
	v28 =	vadd.s32 v55, v28;
	[tilespmem:$0x3D0] =	vst v61  }
0x7d: {  	v34 =	vld [tilespmem:$0x1E0];
	v10 =	vadd.s32 v56, v10;
	[tilespmem:$0x3F0] =	vst v28  }
0x7e: {  	v40 =	vld [tilespmem:$0x120];
	v35 =	vadd.s32 v59, v26;
	[tilespmem:$0x200] =	vst v10  }
0x7f: {  	v42 =	vld [tilespmem:$0x50];
	v36 =	vadd.s32 v60, v20;
	[tilespmem:$0x3C0] =	vst v35  }
0x80: {  	v44 =	vld [tilespmem:$0x110];
	v37 =	vadd.s32 v62, v22;
	[tilespmem:$0x330] =	vst v36  }
0x81: {  	v46 =	vld [tilespmem:$0x60];
	v18 =	vadd.s32 v63, v18;
	[tilespmem:$0x350] =	vst v37  }
0x82: {  	v47 =	vld [tilespmem:$0x100];
	v41 =	vadd.s32 v34, v25;
	[tilespmem:$0x340] =	vst v18  }
0x83: {  	v50 =	vld [tilespmem:$0x80];
	v49 =	vadd.s32 v40, v17;
	[tilespmem:$0x3E0] =	vst v41  }
0x84: {  	v51 =	vld [tilespmem:$0x90];
	v3 =	vadd.s32 v42, v3;
	[tilespmem:$0x320] =	vst v49  }
0x85: {  	v29 =	vld [tilespmem:$0xB0];
	v52 =	vadd.s32 v44, v16;
	[tilespmem:$0x250] =	vst v3  }
0x86: {  	v58 =	vld [tilespmem:$0x30];
	v7 =	vadd.s32 v46, v7;
	[tilespmem:$0x310] =	vst v52  }
0x87: {  	v54 =	vld [tilespmem:$0xA0];
	v55 =	vadd.s32 v47, v14;
	[tilespmem:$0x260] =	vst v7  }
0x88: {  	v38 =	vld [tilespmem:$0x40];
	v4 =	vadd.s32 v50, v4;
	[tilespmem:$0x300] =	vst v55  }
0x89: {  	v53 =	vld [tilespmem:$0x10];
	v8 =	vadd.s32 v51, v8;
	[tilespmem:$0x280] =	vst v4  }
0x8a: {  	v56 =	vld [tilespmem:$0x70];
	[tilespmem:$0x290] =	vst v8;
	v39 =	vadd.s32 v29, v15  }
0x8b: {  	v59 =	vld [tilespmem:$0xD0];
	v62 =	vadd.s32 v58, v1;
	[tilespmem:$0x2B0] =	vst v39  }
0x8c: {  	v48 =	vld [tilespmem:$0xE0];
	v3 =	vadd.s32 v54, v6;
	[tilespmem:$0x230] =	vst v62  }
0x8d: {  	v57 =	vld [tilespmem:$0xC0];
	[tilespmem:$0x2A0] =	vst v3;
	v5 =	vadd.s32 v38, v5  }
0x8e: {  	v0 =	vadd.s32 v53, v0;
	[tilespmem:$0x240] =	vst v5  }
0x8f: {  	v60 =	vadd.s32 v56, v2;
	[tilespmem:$0x210] =	vst v0  }
0x90: {  	v63 =	vadd.s32 v59, v9;
	[tilespmem:$0x270] =	vst v60  }
0x91: {  	v5 =	vadd.s32 v48, v12;
	[tilespmem:$0x2D0] =	vst v63  }
0x92: {  	v61 =	vadd.s32 v57, v11;
	[tilespmem:$0x2E0] =	vst v5  }
0x93: {  	[tilespmem:$0x2C0] =	vst v61  }
0x94: {  	[tilespmem:s6], [sflag:$0x1] =	stream.indirect.gather [hbm4b:s4+s7], $0x1, s9, s7, $0xb8;
	[tilespmem:$0x600] =	vst v63  }
0x95: {  	_ =	swait.ge [sflag:s8], $0x80  }
0x96: {  	[sflag:s8] =	ssyncset.done $0x0  }
0x97: {  	[sflag:s8] =	ssyncadd.s32 $0xFFFFFF80  }
0x98: {  	[tilespmem:s11], [sflag:$0x1] =	stream.indirect.gather [hbm4b:s4+s7], $0x1, s10, s7, $0xb8;
	[tilespmem:$0x600] =	vst v63  }
0x99: {  	_ =	swait.ge [sflag:s8], $0x80  }
0x9a: {  	[sflag:s8] =	ssyncset.done $0x0  }
0x9b: {  	[sflag:s8] =	ssyncadd.s32 $0xFFFFFF80  }
0x9c: {  	[tilespmem:s13], [sflag:$0x1] =	stream.indirect.gather [hbm4b:s4+s7], $0x1, s12, s7, $0xb8;
	[tilespmem:$0x600] =	vst v63  }
0x9d: {  	_ =	swait.ge [sflag:s8], $0x80  }
0x9e: {  	[sflag:s8] =	ssyncset.done $0x0  }
0x9f: {  	[sflag:s8] =	ssyncadd.s32 $0xFFFFFF80  }
0xa0: {  	[tilespmem:s15], [sflag:$0x1] =	stream.indirect.gather [hbm4b:s4+s7], $0x1, s14, s7, $0xb8;
	[tilespmem:$0x600] =	vst v63  }
0xa1: {  	_ =	swait.ge [sflag:s8], $0x80  }
0xa2: {  	[sflag:s8] =	ssyncset.done $0x0  }
0xa3: {  	[sflag:s8] =	ssyncadd.s32 $0xFFFFFF80  }
0xa4: {  	[hbm4b:s5+s2] =	stream.linear.scatter [tilespmem:s6], [sflag:$0x2], $0x200, $0x38;
	[tilespmem:$0x600] =	vst v63  }
0xa5: {  	_ =	swait.ge [sflag:s3], $0x200  }
0xa6: {  	[sflag:s3] =	ssyncset.done $0x0  }
0xa7: {  	[sflag:s3] =	ssyncadd.s32 $0xFFFFFE00  }
0xa8: {  	_ =	sfence.sel $0x180000  }
0xa9: {  	[bflag:$0x0] =	sbarrier.arrive $0xFFFF  }
0xaa: {  	p0 =	sne.s32 s0, $0x0;
	_ =	strace $0x90000047  }
0xab: {  	s0 =	sadd.s32 @!p0 $0x100000, s1;
	[bflag:$0x2] =	sbarrier.arrive $0xFFFF  }
0xac: {  	[sflag:s0] =	ssyncadd.tile.s32 @!p0 $0x1;
	_ =	shalt  }
.Lfunc_end2:
_tile_overlayer_lowered:
.L_overlay_start_2:
0xad: {  	(tag) =	ssettag $0x2  }
0xae: {  	s0 =	rddreg [dreg:$0x0];
	s2 =	stileid.u32  }
0xaf: {  	s1 =	rddreg [dreg:$0x1];
	p0 =	sne.s32 s2, $0x0  }
0xb0: {  	s3 =	rddreg [dreg:$0x2];
	[bflag:$0x3] =	sbarrier.arrive $0xFFFF;
	s2 =	simm.s32 @!p0 $0x1C02  }
0xb1: {  	[timem:s3], [sflag:s2] =	dma.local @!p0 [hbm:s0], s1  }
0xb2: {  	s0 =	simm.s32 @!p0 $0x2  }
0xb3: {  	_ =	swait.ge @!p0 [sflag:s0], s1  }
0xb4: {  	s1 =	ssub.s32 @!p0 $0x0, s1;
	[sflag:s0] =	ssyncset.done @!p0 $0x0  }
0xb5: {  	[sflag:s0] =	ssyncadd.s32 @!p0 s1  }
0xb6: {  	[bflag:$0x3] =	sbarrier.arrive $0xFFFF  }
0xb7: {  	_ =	shalt  }

</sc_bundles>
